<compile_context>
chip_gen: v7x
topology: tpu7x:2x2x1
jax: 0.10.2.dev20260603
libtpu: 0.0.44.dev20260713+nightly
codegen_flags: <defaults>
</compile_context>

<pallas_src>
import functools

import jax
import jax.numpy as jnp
from jax import lax
from jax.experimental import pallas as pl
from jax.experimental.pallas import tpu as pltpu
from jax.experimental.pallas import tpu_sc as plsc

T = 2048
D = 768
E = 8
K = 2
CAP = 640
DFF = 3072
ROWS = E * CAP
NFF = 2
FFC = DFF // NFF
CH = 256
NCH = T // CH

NC, NS = 2, 16
NW = NC * NS
TPW = T // NW
HTOK = TPW // 2
LN = D // 16


def _route_compute(x_ref, wr_ref, noise_ref, tsrc_scr, fpair_ref, gpair_ref,
                   a_scr, cums_scr):
    x = x_ref[...]
    logits = lax.dot_general(
        x, wr_ref[...], (((1,), (0,)), ((), ())),
        preferred_element_type=jnp.float32)
    z = logits + noise_ref[...]
    m = jnp.max(z, axis=1, keepdims=True)
    p = jnp.exp(z - m)
    probs = p / jnp.sum(p, axis=1, keepdims=True)

    lane = lax.broadcasted_iota(jnp.int32, (T, E), 1)
    g0 = jnp.max(probs, axis=1, keepdims=True)
    i0 = jnp.min(jnp.where(probs == g0, lane, E), axis=1, keepdims=True)
    probs1 = jnp.where(lane == i0, -jnp.inf, probs)
    g1 = jnp.max(probs1, axis=1, keepdims=True)
    i1 = jnp.min(jnp.where(probs1 == g1, lane, E), axis=1, keepdims=True)

    oh0 = (lane == i0).astype(jnp.float32)
    oh1 = (lane == i1).astype(jnp.float32)
    a_scr[...] = oh0 + oh1

    r = lax.broadcasted_iota(jnp.int32, (CH, CH), 0)
    c = lax.broadcasted_iota(jnp.int32, (CH, CH), 1)
    lstrict = (r > c).astype(jnp.float32)

    def body(i, carry):
        chunk = a_scr[pl.ds(i * CH, CH), :]
        cums_scr[pl.ds(i * CH, CH), :] = lax.dot_general(
            lstrict, chunk, (((1,), (0,)), ((), ())),
            preferred_element_type=jnp.float32) + carry
        return carry + jnp.sum(chunk, axis=0, keepdims=True)

    counts = lax.fori_loop(0, NCH, body, jnp.zeros((1, E), jnp.float32))

    cums = cums_scr[...]
    pos0 = jnp.sum(cums * oh0, axis=1, keepdims=True).astype(jnp.int32)
    pos1 = jnp.sum(cums * oh1, axis=1, keepdims=True).astype(jnp.int32)
    keep0 = pos0 < CAP
    keep1 = pos1 < CAP

    cmin = jnp.min(counts)
    cl = lax.broadcasted_iota(jnp.int32, (1, E), 1)
    emin = jnp.min(jnp.where(counts == cmin, cl, E))
    zrow = emin * CAP + cmin.astype(jnp.int32)
    fpair_ref[...] = jnp.concatenate(
        [jnp.where(keep0, i0 * CAP + pos0, zrow),
         jnp.where(keep1, i1 * CAP + pos1, zrow)], axis=1)
    gpair_ref[...] = jnp.concatenate(
        [jnp.where(keep0, g0, 0.0), jnp.where(keep1, g1, 0.0)], axis=1)

    cap_iota = lax.broadcasted_iota(jnp.int32, (T, CAP), 1)
    tok = lax.broadcasted_iota(jnp.int32, (T, 1), 0)
    tlo = jnp.bitwise_and(tok, 63).astype(jnp.float32)
    thi = jnp.right_shift(tok, 6).astype(jnp.float32)

    def slot_tabs(pos_s, oh_s):
        ps = (cap_iota == pos_s).astype(jnp.float32)
        dims = (((0,), (0,)), ((), ()))
        cnt = lax.dot_general(oh_s, ps, dims,
                              preferred_element_type=jnp.float32)
        slo = lax.dot_general(oh_s, ps * tlo, dims,
                              preferred_element_type=jnp.float32)
        shi = lax.dot_general(oh_s, ps * thi, dims,
                              preferred_element_type=jnp.float32)
        return cnt, slo + 64.0 * shi

    cnt0, src0 = slot_tabs(pos0, oh0)
    cnt1, src1 = slot_tabs(pos1, oh1)
    cnt = cnt0 + cnt1
    src = (src0 + src1).astype(jnp.int32)
    tsrc_scr[...] = jnp.where(cnt > 0.5, src, T)


def _ffn_body(x_ref, wr_ref, noise_ref, w1_ref, w2_ref, wo_ref,
              out_ref, fpair_ref, gpair_ref,
              xb_scr, buf_scr, tsrc_scr, a_scr, cums_scr):
    e = pl.program_id(0)
    j = pl.program_id(1)

    @pl.when((e == 0) & (j == 0))
    def _():
        _route_compute(x_ref, wr_ref, noise_ref, tsrc_scr,
                       fpair_ref, gpair_ref, a_scr, cums_scr)
        xb_scr[...] = x_ref[...].astype(jnp.bfloat16)

    @pl.when(j == 0)
    def _():
        permt = (lax.broadcasted_iota(jnp.int32, (T, CAP), 0)
                 == tsrc_scr[pl.ds(e, 1), :]).astype(jnp.bfloat16)
        buf_scr[...] = lax.dot_general(
            permt, xb_scr[...], (((0,), (0,)), ((), ())),
            preferred_element_type=jnp.float32).astype(jnp.bfloat16)

    xb = buf_scr[...]
    h1 = lax.dot_general(xb, w1_ref[0].astype(jnp.bfloat16),
                         (((1,), (0,)), ((), ())),
                         preferred_element_type=jnp.float32)
    h2 = lax.dot_general(xb, w2_ref[0].astype(jnp.bfloat16),
                         (((1,), (0,)), ((), ())),
                         preferred_element_type=jnp.float32)
    h = (h1 * jax.nn.sigmoid(h1) * h2).astype(jnp.bfloat16)
    part = lax.dot_general(h, wo_ref[0].astype(jnp.bfloat16),
                           (((1,), (0,)), ((), ())),
                           preferred_element_type=jnp.float32)

    @pl.when(j == 0)
    def _():
        out_ref[...] = part

    @pl.when(j != 0)
    def _():
        out_ref[...] = out_ref[...] + part


_ffn = pl.pallas_call(
    _ffn_body,
    grid=(E, NFF),
    in_specs=[
        pl.BlockSpec((T, D), lambda e, j: (0, 0)),
        pl.BlockSpec((D, E), lambda e, j: (0, 0)),
        pl.BlockSpec((T, E), lambda e, j: (0, 0)),
        pl.BlockSpec((1, D, FFC), lambda e, j: (e, 0, j)),
        pl.BlockSpec((1, D, FFC), lambda e, j: (e, 0, j)),
        pl.BlockSpec((1, FFC, D), lambda e, j: (e, j, 0)),
    ],
    out_specs=(
        pl.BlockSpec((CAP, D), lambda e, j: (e, 0)),
        pl.BlockSpec((T, K), lambda e, j: (0, 0)),
        pl.BlockSpec((T, K), lambda e, j: (0, 0)),
    ),
    out_shape=(
        jax.ShapeDtypeStruct((ROWS, D), jnp.float32),
        jax.ShapeDtypeStruct((T, K), jnp.int32),
        jax.ShapeDtypeStruct((T, K), jnp.float32),
    ),
    scratch_shapes=[
        pltpu.VMEM((T, D), jnp.bfloat16),
        pltpu.VMEM((CAP, D), jnp.bfloat16),
        pltpu.VMEM((E, CAP), jnp.int32),
        pltpu.VMEM((T, E), jnp.float32),
        pltpu.VMEM((T, E), jnp.float32),
    ],
    compiler_params=pltpu.CompilerParams(
        dimension_semantics=("arbitrary", "arbitrary"),
        vmem_limit_bytes=100 * 1024 * 1024),
)


def _combine_body(outbuf_hbm, fpair_hbm, gpair_hbm, out_hbm,
                  fp_v, gp_v, rows0_v, rows1_v, acc_v, sem0, sem1):
    wid = lax.axis_index("s") * NC + lax.axis_index("c")
    pltpu.sync_copy(fpair_hbm.at[pl.ds(wid * TPW * K, TPW * K)], fp_v)
    pltpu.sync_copy(gpair_hbm.at[pl.ds(wid * TPW * K, TPW * K)], gp_v)
    cp0 = pltpu.async_copy(
        outbuf_hbm.at[fp_v.at[pl.ds(0, HTOK * K)]], rows0_v, sem0)
    cp1 = pltpu.async_copy(
        outbuf_hbm.at[fp_v.at[pl.ds(HTOK * K, HTOK * K)]], rows1_v, sem1)
    for h, (cp, rows_v) in enumerate(((cp0, rows0_v), (cp1, rows1_v))):
        cp.wait()

        def tokb(tk, _):
            ga = plsc.load_gather(
                gp_v, [jnp.full((16,), (h * HTOK + tk) * 2, jnp.int32)])
            gb = plsc.load_gather(
                gp_v, [jnp.full((16,), (h * HTOK + tk) * 2 + 1, jnp.int32)])

            def chb(c, _):
                a = rows_v[2 * tk, pl.ds(c * 16, 16)]
                b = rows_v[2 * tk + 1, pl.ds(c * 16, 16)]
                acc_v[tk, pl.ds(c * 16, 16)] = ga * a + gb * b
                return 0
            lax.fori_loop(0, LN, chb, 0)
            return 0

        lax.fori_loop(0, HTOK, tokb, 0)
        pltpu.sync_copy(acc_v, out_hbm.at[pl.ds(wid * TPW + h * HTOK, HTOK)])


@functools.cache
def _combine():
    return functools.partial(
        pl.kernel,
        out_type=jax.ShapeDtypeStruct((T, D), jnp.float32),
        mesh=plsc.VectorSubcoreMesh(
            core_axis_name="c", subcore_axis_name="s",
            num_cores=NC, num_subcores=NS),
        scratch_types=[
            pltpu.VMEM((TPW * K,), jnp.int32),
            pltpu.VMEM((TPW * K,), jnp.float32),
            pltpu.VMEM((HTOK * K, D), jnp.float32),
            pltpu.VMEM((HTOK * K, D), jnp.float32),
            pltpu.VMEM((HTOK, D), jnp.float32),
            pltpu.SemaphoreType.DMA,
            pltpu.SemaphoreType.DMA,
        ],
        compiler_params=pltpu.CompilerParams(needs_layout_passes=False),
    )(_combine_body)


_noise_const = None


def _gumbel_noise():
    global _noise_const
    if _noise_const is None:
        _noise_const = jax.block_until_ready(
            jax.random.gumbel(jax.random.key(42), (T, E),
                              dtype=jnp.float32) * 0.05)
    return _noise_const


def kernel(x, w_router, w1, w2, w_out):
    xt = x.reshape(T, D).astype(jnp.float32)
    noise = _gumbel_noise()

    out_buf, fpair2, gpair2 = _ffn(xt, w_router, noise, w1, w2, w_out)
    out = _combine()(out_buf, fpair2.reshape(T * K), gpair2.reshape(T * K))
    return out.reshape(1, T, D)

# --- scband reference (transcript-rebuilt; emitter-appended) ---
"""Pipeline reference for scband-dariush-mo-elayer-14087492731057 (READ-ONLY COPY).

The authoritative reference and input builder live on the scoring server;
editing this copy changes nothing except your own understanding.
"""

import jax, jax.numpy as jnp
import numpy as np

B = 1
S = 2048
D_MODEL = 768
NUM_EXPERTS = 8
TOP_K = 2
D_FF = 3072  # widening_factor 4.0 * d_model
CAPACITY = 640  # ceil(T*top_k/E * 1.25) = ceil(4096/8*1.25)


def setup_inputs(seed: int = 0) -> dict:
    key = jax.random.key(seed)
    k1, k2, k3, k4, k5 = jax.random.split(key, 5)
    x = jax.random.normal(k1, (B, S, D_MODEL), dtype=jnp.float32)
    # router weight [d_model, num_experts], TruncatedNormal(0.02)
    w_router = jax.random.normal(k2, (D_MODEL, NUM_EXPERTS), dtype=jnp.float32) * 0.02
    # per-expert SwiGLU FFN weights
    w1 = jax.random.normal(k3, (NUM_EXPERTS, D_MODEL, D_FF), dtype=jnp.float32) * 0.02
    w2 = jax.random.normal(k4, (NUM_EXPERTS, D_MODEL, D_FF), dtype=jnp.float32) * 0.02
    w_out = jax.random.normal(k5, (NUM_EXPERTS, D_FF, D_MODEL), dtype=jnp.float32) * 0.02
    return {"x": x, "w_router": w_router, "w1": w1, "w2": w2, "w_out": w_out}


def reference(x, w_router, w1, w2, w_out):
    b, s, d = x.shape
    T = b * s
    xt = x.reshape(T, d).astype(jnp.float32)

    # ---- DariushRouter: logits + gumbel noise, softmax, top-k ----
    logits = jnp.dot(xt, w_router)
    noise = jax.random.gumbel(jax.random.key(42), logits.shape, dtype=jnp.float32) * 0.05
    probs = jax.nn.softmax(logits + noise, axis=-1)
    gates, indices = jax.lax.top_k(probs, TOP_K)  # [T, k], [T, k]

    # ---- capacity-based expert dispatch ----
    eid = indices.reshape(-1)            # [T*k] expert id per (token, slot)
    gflat = gates.reshape(-1)            # [T*k]
    onehot = jax.nn.one_hot(eid, NUM_EXPERTS, dtype=jnp.int32)
    pos = jnp.sum(jnp.cumsum(onehot, axis=0) * onehot, axis=1) - 1  # position within expert
    keep = (pos < CAPACITY)
    pos_safe = jnp.where(keep, pos, CAPACITY)  # overflow slot CAPACITY
    x_rep = jnp.repeat(xt, TOP_K, axis=0)      # [T*k, d]
    x_rep = x_rep * keep.astype(jnp.float32)[:, None]

    buf = jnp.zeros((NUM_EXPERTS, CAPACITY + 1, d), dtype=jnp.float32)
    buf = buf.at[eid, pos_safe].set(x_rep)

    # ---- per-expert SwiGLU FFN ----
    h = jax.nn.silu(jnp.einsum('ecd,edf->ecf', buf, w1)) * jnp.einsum('ecd,edf->ecf', buf, w2)
    out_buf = jnp.einsum('ecf,efd->ecd', h, w_out)

    # ---- combine: gather back, weight by gates ----
    out_tok = out_buf[eid, pos_safe] * (keep.astype(jnp.float32) * gflat)[:, None]  # [T*k, d]
    out = out_tok.reshape(T, TOP_K, d).sum(axis=1)
    return out.reshape(b, s, d)


if False:  # reference __main__ guard neutralized (emitter)
    inp = setup_inputs()
    y = reference(**inp)
    print(y.shape, y.dtype)

if __name__ == "__main__":
    import jax
    _d = setup_inputs()
    print(jax.jit(kernel)(*tuple(_d.values())))

</pallas_src>

<mosaic_0001>
#map = affine_map<(d0, d1) -> (0, 0)>
#map1 = affine_map<(d0, d1) -> (0)>
module attributes {stable_mosaic.version = 14 : i64} {
  func.func @_combine_body(%arg0: i32, %arg1: i32, %arg2: memref<5120x768xf32, #tpu.memory_space<hbm>>, %arg3: memref<4096xi32, #tpu.memory_space<hbm>>, %arg4: memref<4096xf32, #tpu.memory_space<hbm>>, %arg5: memref<2048x768xf32, #tpu.memory_space<hbm>>, %arg6: memref<128xi32, #tpu.memory_space<vmem>>, %arg7: memref<128xf32, #tpu.memory_space<vmem>>, %arg8: memref<64x768xf32, #tpu.memory_space<vmem>>, %arg9: memref<64x768xf32, #tpu.memory_space<vmem>>, %arg10: memref<32x768xf32, #tpu.memory_space<vmem>>, %arg11: memref<!tpu.dma_semaphore, #tpu.memory_space<semaphore_mem>>, %arg12: memref<!tpu.dma_semaphore, #tpu.memory_space<semaphore_mem>>) attributes {dimension_semantics = [#tpu.dimension_semantics<core_parallel>, #tpu.dimension_semantics<subcore_parallel>], iteration_bounds = array<i64: 2, 16>, scalar_prefetch = 0 : i64, scratch_operands = 7 : i64, tpu.core_type = #tpu.core_type<sc_vector_subcore>, window_params = [{transform_indices = #map}, {transform_indices = #map1}, {transform_indices = #map1}, {transform_indices = #map}]} {
    %mul3A = arith.constant 2 : i32
    %mul3A_0 = arith.muli %arg1, %mul3A : i32
    %add3A = arith.addi %mul3A_0, %arg0 : i32
    %mul3A_1 = arith.constant 64 : i32
    %mul3A_2 = arith.muli %add3A, %mul3A_1 : i32
    %mul3A_3 = arith.constant 2 : i32
    %mul3A_4 = arith.muli %mul3A_2, %mul3A_3 : i32
    "tpu.region"() ({
      %run_scoped3A = tpu.sem_alloc : memref<!tpu.dma_semaphore, #tpu.memory_space<semaphore_mem>>
      %dma_start3A_48 = tpu.memref_slice %arg3[%mul3A_4] : memref<4096xi32, #tpu.memory_space<hbm>> -> memref<128xi32, #tpu.memory_space<hbm>>
      %dma_start3A_49 = tpu.memref_slice %arg3[%mul3A_4] : memref<4096xi32, #tpu.memory_space<hbm>> -> memref<128xi32, #tpu.memory_space<hbm>>
      tpu.enqueue_dma source(%dma_start3A_49 : memref<128xi32, #tpu.memory_space<hbm>>) target(%arg6 : memref<128xi32, #tpu.memory_space<vmem>>) target_semaphore(%run_scoped3A : memref<!tpu.dma_semaphore, #tpu.memory_space<semaphore_mem>>)
      %dma_wait3A_50 = tpu.memref_slice %arg3[%mul3A_4] : memref<4096xi32, #tpu.memory_space<hbm>> -> memref<128xi32, #tpu.memory_space<hbm>>
      %dma_wait3A_51 = tpu.memref_slice %arg3[%mul3A_4] : memref<4096xi32, #tpu.memory_space<hbm>> -> memref<128xi32, #tpu.memory_space<hbm>>
      tpu.wait_dma2 semaphore(%run_scoped3A : memref<!tpu.dma_semaphore, #tpu.memory_space<semaphore_mem>>) src(%dma_wait3A_51 : memref<128xi32, #tpu.memory_space<hbm>>) dst(%arg6 : memref<128xi32, #tpu.memory_space<vmem>>)
      tpu.yield
    }) : () -> ()
    %mul3A_5 = arith.constant 64 : i32
    %mul3A_6 = arith.muli %add3A, %mul3A_5 : i32
    %mul3A_7 = arith.constant 2 : i32
    %mul3A_8 = arith.muli %mul3A_6, %mul3A_7 : i32
    "tpu.region"() ({
      %run_scoped3A = tpu.sem_alloc : memref<!tpu.dma_semaphore, #tpu.memory_space<semaphore_mem>>
      %dma_start3A_48 = tpu.memref_slice %arg4[%mul3A_8] : memref<4096xf32, #tpu.memory_space<hbm>> -> memref<128xf32, #tpu.memory_space<hbm>>
      %dma_start3A_49 = tpu.memref_slice %arg4[%mul3A_8] : memref<4096xf32, #tpu.memory_space<hbm>> -> memref<128xf32, #tpu.memory_space<hbm>>
      tpu.enqueue_dma source(%dma_start3A_49 : memref<128xf32, #tpu.memory_space<hbm>>) target(%arg7 : memref<128xf32, #tpu.memory_space<vmem>>) target_semaphore(%run_scoped3A : memref<!tpu.dma_semaphore, #tpu.memory_space<semaphore_mem>>)
      %dma_wait3A_50 = tpu.memref_slice %arg4[%mul3A_8] : memref<4096xf32, #tpu.memory_space<hbm>> -> memref<128xf32, #tpu.memory_space<hbm>>
      %dma_wait3A_51 = tpu.memref_slice %arg4[%mul3A_8] : memref<4096xf32, #tpu.memory_space<hbm>> -> memref<128xf32, #tpu.memory_space<hbm>>
      tpu.wait_dma2 semaphore(%run_scoped3A : memref<!tpu.dma_semaphore, #tpu.memory_space<semaphore_mem>>) src(%dma_wait3A_51 : memref<128xf32, #tpu.memory_space<hbm>>) dst(%arg7 : memref<128xf32, #tpu.memory_space<vmem>>)
      tpu.yield
    }) : () -> ()
    %dma_start3A = arith.constant 0 : i32
    %dma_start3A_9 = tpu.memref_slice %arg6[%dma_start3A] : memref<128xi32, #tpu.memory_space<vmem>> -> memref<64xi32, #tpu.memory_space<vmem>>
    %dma_start3A_10 = arith.constant 0 : i32
    %dma_start3A_11 = arith.constant 0 : i32
    %dma_start3A_12 = tpu.memref_slice %arg2[%dma_start3A_10, %dma_start3A_11] : memref<5120x768xf32, #tpu.memory_space<hbm>> -> memref<5120x768xf32, #tpu.memory_space<hbm>>
    tpu.enqueue_indirect_dma source(%dma_start3A_12 : memref<5120x768xf32, #tpu.memory_space<hbm>>) target(%arg8 : memref<64x768xf32, #tpu.memory_space<vmem>>) offsets(%dma_start3A_9 : memref<64xi32, #tpu.memory_space<vmem>>) semaphore(%arg11 : memref<!tpu.dma_semaphore, #tpu.memory_space<semaphore_mem>>)
    %dma_start3A_13 = arith.constant 64 : i32
    %dma_start3A_14 = tpu.memref_slice %arg6[%dma_start3A_13] : memref<128xi32, #tpu.memory_space<vmem>> -> memref<64xi32, #tpu.memory_space<vmem>>
    %dma_start3A_15 = arith.constant 0 : i32
    %dma_start3A_16 = arith.constant 0 : i32
    %dma_start3A_17 = tpu.memref_slice %arg2[%dma_start3A_15, %dma_start3A_16] : memref<5120x768xf32, #tpu.memory_space<hbm>> -> memref<5120x768xf32, #tpu.memory_space<hbm>>
    tpu.enqueue_indirect_dma source(%dma_start3A_17 : memref<5120x768xf32, #tpu.memory_space<hbm>>) target(%arg9 : memref<64x768xf32, #tpu.memory_space<vmem>>) offsets(%dma_start3A_14 : memref<64xi32, #tpu.memory_space<vmem>>) semaphore(%arg12 : memref<!tpu.dma_semaphore, #tpu.memory_space<semaphore_mem>>)
    %dma_wait3A = arith.constant 0 : i32
    %dma_wait3A_18 = tpu.memref_slice %arg6[%dma_wait3A] : memref<128xi32, #tpu.memory_space<vmem>> -> memref<64xi32, #tpu.memory_space<vmem>>
    %dma_wait3A_19 = arith.constant 0 : i32
    %dma_wait3A_20 = arith.constant 0 : i32
    %dma_wait3A_21 = tpu.memref_slice %arg2[%dma_wait3A_19, %dma_wait3A_20] : memref<5120x768xf32, #tpu.memory_space<hbm>> -> memref<5120x768xf32, #tpu.memory_space<hbm>>
    tpu.wait_indirect_dma semaphore(%arg11 : memref<!tpu.dma_semaphore, #tpu.memory_space<semaphore_mem>>) src(%dma_wait3A_21 : memref<5120x768xf32, #tpu.memory_space<hbm>>) dst(%arg8 : memref<64x768xf32, #tpu.memory_space<vmem>>)
    %scan3A = arith.constant 0 : i32
    %scan3A_22 = arith.constant 0 : i32
    %scan3A_23 = arith.constant 32 : i32
    %scan3A_24 = arith.addi %scan3A_22, %scan3A_23 : i32
    %scan3A_25 = arith.constant 1 : i32
    %scan3A_26 = scf.for %scan3A_48 = %scan3A_22 to %scan3A_24 step %scan3A_25 iter_args(%scan3A_49 = %scan3A) -> (i32)  : i32 {
      %add3A_50 = arith.constant 0 : i32
      %add3A_51 = arith.addi %add3A_50, %scan3A_48 : i32
      %mul3A_52 = arith.constant 2 : i32
      %mul3A_53 = arith.muli %add3A_51, %mul3A_52 : i32
      %broadcast_in_dim3A = vector.broadcast %mul3A_53 : i32 to vector<16xi32>
      %gather3A = tpu.vector_load_idx %arg7[%broadcast_in_dim3A] : memref<128xf32, #tpu.memory_space<vmem>>[vector<16xi32>], vector<16xf32>,
      %add3A_54 = arith.constant 0 : i32
      %add3A_55 = arith.addi %add3A_54, %scan3A_48 : i32
      %mul3A_56 = arith.constant 2 : i32
      %mul3A_57 = arith.muli %add3A_55, %mul3A_56 : i32
      %add3A_58 = arith.constant 1 : i32
      %add3A_59 = arith.addi %mul3A_57, %add3A_58 : i32
      %broadcast_in_dim3A_60 = vector.broadcast %add3A_59 : i32 to vector<16xi32>
      %gather3A_61 = tpu.vector_load_idx %arg7[%broadcast_in_dim3A_60] : memref<128xf32, #tpu.memory_space<vmem>>[vector<16xi32>], vector<16xf32>,
      %scan3A_62 = arith.constant 0 : i32
      %scan3A_63 = arith.constant 0 : i32
      %scan3A_64 = arith.constant 48 : i32
      %scan3A_65 = arith.addi %scan3A_63, %scan3A_64 : i32
      %scan3A_66 = arith.constant 1 : i32
      %scan3A_67 = scf.for %scan3A_70 = %scan3A_63 to %scan3A_65 step %scan3A_66 iter_args(%scan3A_71 = %scan3A_62) -> (i32)  : i32 {
        %mul3A_72 = arith.constant 2 : i32
        %mul3A_73 = arith.muli %mul3A_72, %scan3A_48 : i32
        %mul3A_74 = arith.constant 16 : i32
        %mul3A_75 = arith.muli %scan3A_70, %mul3A_74 : i32
        %get3A = arith.index_cast %mul3A_73 : i32 to index
        %get3A_76 = arith.index_cast %mul3A_75 : i32 to index
        %get3A_77 = tpu.vector_load %arg8[%get3A, %get3A_76] {strides = array<i32>} : memref<64x768xf32, #tpu.memory_space<vmem>>, vector<16xf32>,
        %mul3A_78 = arith.constant 2 : i32
        %mul3A_79 = arith.muli %mul3A_78, %scan3A_48 : i32
        %add3A_80 = arith.constant 1 : i32
        %add3A_81 = arith.addi %mul3A_79, %add3A_80 : i32
        %mul3A_82 = arith.constant 16 : i32
        %mul3A_83 = arith.muli %scan3A_70, %mul3A_82 : i32
        %get3A_84 = arith.index_cast %add3A_81 : i32 to index
        %get3A_85 = arith.index_cast %mul3A_83 : i32 to index
        %get3A_86 = tpu.vector_load %arg8[%get3A_84, %get3A_85] {strides = array<i32>} : memref<64x768xf32, #tpu.memory_space<vmem>>, vector<16xf32>,
        %mul3A_87 = arith.mulf %gather3A, %get3A_77 : vector<16xf32>
        %mul3A_88 = arith.mulf %gather3A_61, %get3A_86 : vector<16xf32>
        %add3A_89 = arith.addf %mul3A_87, %mul3A_88 : vector<16xf32>
        %mul3A_90 = arith.constant 16 : i32
        %mul3A_91 = arith.muli %scan3A_70, %mul3A_90 : i32
        %swap3A = arith.index_cast %scan3A_48 : i32 to index
        %swap3A_92 = arith.index_cast %mul3A_91 : i32 to index
        %swap3A_93 = tpu.vector_load %arg10[%swap3A, %swap3A_92] {strides = array<i32>} : memref<32x768xf32, #tpu.memory_space<vmem>>, vector<16xf32>,
        tpu.vector_store %arg10[%swap3A, %swap3A_92], %add3A_89 {strides = array<i32>} : memref<32x768xf32, #tpu.memory_space<vmem>>, vector<16xf32>,
        %scan3A_94 = arith.constant 0 : i32
        scf.yield %scan3A_94 : i32
      }
      %scan3A_68 = arith.constant 48 : i32
      %scan3A_69 = arith.constant 0 : i32
      scf.yield %scan3A_69 : i32
    }
    %scan3A_27 = arith.constant 32 : i32
    %mul3A_28 = arith.constant 64 : i32
    %mul3A_29 = arith.muli %add3A, %mul3A_28 : i32
    %add3A_30 = arith.constant 0 : i32
    %add3A_31 = arith.addi %mul3A_29, %add3A_30 : i32
    "tpu.region"() ({
      %run_scoped3A = tpu.sem_alloc : memref<!tpu.dma_semaphore, #tpu.memory_space<semaphore_mem>>
      %dma_start3A_48 = arith.constant 0 : i32
      %dma_start3A_49 = tpu.memref_slice %arg5[%add3A_31, %dma_start3A_48] : memref<2048x768xf32, #tpu.memory_space<hbm>> -> memref<32x768xf32, #tpu.memory_space<hbm>>
      %dma_start3A_50 = arith.constant 0 : i32
      %dma_start3A_51 = tpu.memref_slice %arg5[%add3A_31, %dma_start3A_50] : memref<2048x768xf32, #tpu.memory_space<hbm>> -> memref<32x768xf32, #tpu.memory_space<hbm>>
      tpu.enqueue_dma source(%arg10 : memref<32x768xf32, #tpu.memory_space<vmem>>) target(%dma_start3A_51 : memref<32x768xf32, #tpu.memory_space<hbm>>) target_semaphore(%run_scoped3A : memref<!tpu.dma_semaphore, #tpu.memory_space<semaphore_mem>>)
      %dma_wait3A_52 = arith.constant 0 : i32
      %dma_wait3A_53 = tpu.memref_slice %arg5[%add3A_31, %dma_wait3A_52] : memref<2048x768xf32, #tpu.memory_space<hbm>> -> memref<32x768xf32, #tpu.memory_space<hbm>>
      %dma_wait3A_54 = arith.constant 0 : i32
      %dma_wait3A_55 = tpu.memref_slice %arg5[%add3A_31, %dma_wait3A_54] : memref<2048x768xf32, #tpu.memory_space<hbm>> -> memref<32x768xf32, #tpu.memory_space<hbm>>
      tpu.wait_dma2 semaphore(%run_scoped3A : memref<!tpu.dma_semaphore, #tpu.memory_space<semaphore_mem>>) src(%arg10 : memref<32x768xf32, #tpu.memory_space<vmem>>) dst(%dma_wait3A_55 : memref<32x768xf32, #tpu.memory_space<hbm>>)
      tpu.yield
    }) : () -> ()
    %dma_wait3A_32 = arith.constant 64 : i32
    %dma_wait3A_33 = tpu.memref_slice %arg6[%dma_wait3A_32] : memref<128xi32, #tpu.memory_space<vmem>> -> memref<64xi32, #tpu.memory_space<vmem>>
    %dma_wait3A_34 = arith.constant 0 : i32
    %dma_wait3A_35 = arith.constant 0 : i32
    %dma_wait3A_36 = tpu.memref_slice %arg2[%dma_wait3A_34, %dma_wait3A_35] : memref<5120x768xf32, #tpu.memory_space<hbm>> -> memref<5120x768xf32, #tpu.memory_space<hbm>>
    tpu.wait_indirect_dma semaphore(%arg12 : memref<!tpu.dma_semaphore, #tpu.memory_space<semaphore_mem>>) src(%dma_wait3A_36 : memref<5120x768xf32, #tpu.memory_space<hbm>>) dst(%arg9 : memref<64x768xf32, #tpu.memory_space<vmem>>)
    %scan3A_37 = arith.constant 0 : i32
    %scan3A_38 = arith.constant 0 : i32
    %scan3A_39 = arith.constant 32 : i32
    %scan3A_40 = arith.addi %scan3A_38, %scan3A_39 : i32
    %scan3A_41 = arith.constant 1 : i32
    %scan3A_42 = scf.for %scan3A_48 = %scan3A_38 to %scan3A_40 step %scan3A_41 iter_args(%scan3A_49 = %scan3A_37) -> (i32)  : i32 {
      %add3A_50 = arith.constant 32 : i32
      %add3A_51 = arith.addi %add3A_50, %scan3A_48 : i32
      %mul3A_52 = arith.constant 2 : i32
      %mul3A_53 = arith.muli %add3A_51, %mul3A_52 : i32
      %broadcast_in_dim3A = vector.broadcast %mul3A_53 : i32 to vector<16xi32>
      %gather3A = tpu.vector_load_idx %arg7[%broadcast_in_dim3A] : memref<128xf32, #tpu.memory_space<vmem>>[vector<16xi32>], vector<16xf32>,
      %add3A_54 = arith.constant 32 : i32
      %add3A_55 = arith.addi %add3A_54, %scan3A_48 : i32
      %mul3A_56 = arith.constant 2 : i32
      %mul3A_57 = arith.muli %add3A_55, %mul3A_56 : i32
      %add3A_58 = arith.constant 1 : i32
      %add3A_59 = arith.addi %mul3A_57, %add3A_58 : i32
      %broadcast_in_dim3A_60 = vector.broadcast %add3A_59 : i32 to vector<16xi32>
      %gather3A_61 = tpu.vector_load_idx %arg7[%broadcast_in_dim3A_60] : memref<128xf32, #tpu.memory_space<vmem>>[vector<16xi32>], vector<16xf32>,
      %scan3A_62 = arith.constant 0 : i32
      %scan3A_63 = arith.constant 0 : i32
      %scan3A_64 = arith.constant 48 : i32
      %scan3A_65 = arith.addi %scan3A_63, %scan3A_64 : i32
      %scan3A_66 = arith.constant 1 : i32
      %scan3A_67 = scf.for %scan3A_70 = %scan3A_63 to %scan3A_65 step %scan3A_66 iter_args(%scan3A_71 = %scan3A_62) -> (i32)  : i32 {
        %mul3A_72 = arith.constant 2 : i32
        %mul3A_73 = arith.muli %mul3A_72, %scan3A_48 : i32
        %mul3A_74 = arith.constant 16 : i32
        %mul3A_75 = arith.muli %scan3A_70, %mul3A_74 : i32
        %get3A = arith.index_cast %mul3A_73 : i32 to index
        %get3A_76 = arith.index_cast %mul3A_75 : i32 to index
        %get3A_77 = tpu.vector_load %arg9[%get3A, %get3A_76] {strides = array<i32>} : memref<64x768xf32, #tpu.memory_space<vmem>>, vector<16xf32>,
        %mul3A_78 = arith.constant 2 : i32
        %mul3A_79 = arith.muli %mul3A_78, %scan3A_48 : i32
        %add3A_80 = arith.constant 1 : i32
        %add3A_81 = arith.addi %mul3A_79, %add3A_80 : i32
        %mul3A_82 = arith.constant 16 : i32
        %mul3A_83 = arith.muli %scan3A_70, %mul3A_82 : i32
        %get3A_84 = arith.index_cast %add3A_81 : i32 to index
        %get3A_85 = arith.index_cast %mul3A_83 : i32 to index
        %get3A_86 = tpu.vector_load %arg9[%get3A_84, %get3A_85] {strides = array<i32>} : memref<64x768xf32, #tpu.memory_space<vmem>>, vector<16xf32>,
        %mul3A_87 = arith.mulf %gather3A, %get3A_77 : vector<16xf32>
        %mul3A_88 = arith.mulf %gather3A_61, %get3A_86 : vector<16xf32>
        %add3A_89 = arith.addf %mul3A_87, %mul3A_88 : vector<16xf32>
        %mul3A_90 = arith.constant 16 : i32
        %mul3A_91 = arith.muli %scan3A_70, %mul3A_90 : i32
        %swap3A = arith.index_cast %scan3A_48 : i32 to index
        %swap3A_92 = arith.index_cast %mul3A_91 : i32 to index
        %swap3A_93 = tpu.vector_load %arg10[%swap3A, %swap3A_92] {strides = array<i32>} : memref<32x768xf32, #tpu.memory_space<vmem>>, vector<16xf32>,
        tpu.vector_store %arg10[%swap3A, %swap3A_92], %add3A_89 {strides = array<i32>} : memref<32x768xf32, #tpu.memory_space<vmem>>, vector<16xf32>,
        %scan3A_94 = arith.constant 0 : i32
        scf.yield %scan3A_94 : i32
      }
      %scan3A_68 = arith.constant 48 : i32
      %scan3A_69 = arith.constant 0 : i32
      scf.yield %scan3A_69 : i32
    }
    %scan3A_43 = arith.constant 32 : i32
    %mul3A_44 = arith.constant 64 : i32
    %mul3A_45 = arith.muli %add3A, %mul3A_44 : i32
    %add3A_46 = arith.constant 32 : i32
    %add3A_47 = arith.addi %mul3A_45, %add3A_46 : i32
    "tpu.region"() ({
      %run_scoped3A = tpu.sem_alloc : memref<!tpu.dma_semaphore, #tpu.memory_space<semaphore_mem>>
      %dma_start3A_48 = arith.constant 0 : i32
      %dma_start3A_49 = tpu.memref_slice %arg5[%add3A_47, %dma_start3A_48] : memref<2048x768xf32, #tpu.memory_space<hbm>> -> memref<32x768xf32, #tpu.memory_space<hbm>>
      %dma_start3A_50 = arith.constant 0 : i32
      %dma_start3A_51 = tpu.memref_slice %arg5[%add3A_47, %dma_start3A_50] : memref<2048x768xf32, #tpu.memory_space<hbm>> -> memref<32x768xf32, #tpu.memory_space<hbm>>
      tpu.enqueue_dma source(%arg10 : memref<32x768xf32, #tpu.memory_space<vmem>>) target(%dma_start3A_51 : memref<32x768xf32, #tpu.memory_space<hbm>>) target_semaphore(%run_scoped3A : memref<!tpu.dma_semaphore, #tpu.memory_space<semaphore_mem>>)
      %dma_wait3A_52 = arith.constant 0 : i32
      %dma_wait3A_53 = tpu.memref_slice %arg5[%add3A_47, %dma_wait3A_52] : memref<2048x768xf32, #tpu.memory_space<hbm>> -> memref<32x768xf32, #tpu.memory_space<hbm>>
      %dma_wait3A_54 = arith.constant 0 : i32
      %dma_wait3A_55 = tpu.memref_slice %arg5[%add3A_47, %dma_wait3A_54] : memref<2048x768xf32, #tpu.memory_space<hbm>> -> memref<32x768xf32, #tpu.memory_space<hbm>>
      tpu.wait_dma2 semaphore(%run_scoped3A : memref<!tpu.dma_semaphore, #tpu.memory_space<semaphore_mem>>) src(%arg10 : memref<32x768xf32, #tpu.memory_space<vmem>>) dst(%dma_wait3A_55 : memref<32x768xf32, #tpu.memory_space<hbm>>)
      tpu.yield
    }) : () -> ()
    return
  }
}

module attributes {stable_mosaic.version = 14 : i64} {
  func.func @_ffn_body(%arg0: i32, %arg1: i32, %arg2: memref<2048x768xf32, #tpu.memory_space<vmem>>, %arg3: memref<768x8xf32, #tpu.memory_space<vmem>>, %arg4: memref<2048x8xf32, #tpu.memory_space<vmem>>, %arg5: memref<1x768x1536xf32, #tpu.memory_space<vmem>>, %arg6: memref<1x768x1536xf32, #tpu.memory_space<vmem>>, %arg7: memref<1x1536x768xf32, #tpu.memory_space<vmem>>, %arg8: memref<640x768xf32, #tpu.memory_space<vmem>>, %arg9: memref<2048x2xi32, #tpu.memory_space<vmem>>, %arg10: memref<2048x2xf32, #tpu.memory_space<vmem>>, %arg11: memref<2048x768xbf16, #tpu.memory_space<vmem>>, %arg12: memref<640x768xbf16, #tpu.memory_space<vmem>>, %arg13: memref<8x640xi32, #tpu.memory_space<vmem>>, %arg14: memref<2048x8xf32, #tpu.memory_space<vmem>>, %arg15: memref<2048x8xf32, #tpu.memory_space<vmem>>) attributes {dimension_semantics = [#tpu.dimension_semantics<arbitrary>, #tpu.dimension_semantics<arbitrary>], iteration_bounds = array<i64: 8, 2>, scalar_prefetch = 0 : i64, scratch_operands = 5 : i64, tpu.core_type = #tpu.core_type<tc>, window_params = [{pipeline_mode = #tpu.pipeline_mode<synchronous>, transform_indices = @transform_0, window_bounds = array<i64: 2048, 768>}, {pipeline_mode = #tpu.pipeline_mode<synchronous>, transform_indices = @transform_1, window_bounds = array<i64: 768, 8>}, {pipeline_mode = #tpu.pipeline_mode<synchronous>, transform_indices = @transform_2, window_bounds = array<i64: 2048, 8>}, {transform_indices = @transform_3, window_bounds = array<i64: 1, 768, 1536>}, {transform_indices = @transform_4, window_bounds = array<i64: 1, 768, 1536>}, {transform_indices = @transform_5, window_bounds = array<i64: 1, 1536, 768>}, {transform_indices = @transform_6, window_bounds = array<i64: 640, 768>}, {pipeline_mode = #tpu.pipeline_mode<synchronous>, transform_indices = @transform_7, window_bounds = array<i64: 2048, 2>}, {pipeline_mode = #tpu.pipeline_mode<synchronous>, transform_indices = @transform_8, window_bounds = array<i64: 2048, 2>}]} {
    %eq3A = arith.constant 0 : i32
    %eq3A_0 = arith.cmpi eq, %arg0, %eq3A : i32
    %eq3A_1 = arith.constant 0 : i32
    %eq3A_2 = arith.cmpi eq, %arg1, %eq3A_1 : i32
    %and3A = arith.andi %eq3A_0, %eq3A_2 : i1
    %convert_element_type3A = arith.extui %and3A : i1 to i32
    %cond3A = arith.constant 0 : i32
    %cond3A_3 = arith.cmpi ne, %convert_element_type3A, %cond3A : i32
    scf.if %cond3A_3 {
      %get3A_50 = arith.constant 0 : index
      %get3A_51 = arith.constant 0 : index
      %get3A_52 = vector.load %arg2[%get3A_50, %get3A_51] : memref<2048x768xf32, #tpu.memory_space<vmem>>, vector<2048x768xf32>
      %get3A_53 = arith.constant 0 : index
      %get3A_54 = arith.constant 0 : index
      %get3A_55 = vector.load %arg3[%get3A_53, %get3A_54] : memref<768x8xf32, #tpu.memory_space<vmem>>, vector<768x8xf32>
      %dot_general3A_56 = arith.constant dense<0.000000e+00> : vector<2048x8xf32>
      %dot_general3A_57 = tpu.matmul %get3A_52, %get3A_55, %dot_general3A_56 {dimension_numbers = #tpu.dot_dimension_numbers<[1], [0], [0], [1], [0, 0, 1, 1], [], []>, transpose_lhs_hint = false} : vector<2048x768xf32>, vector<768x8xf32>, vector<2048x8xf32> -> vector<2048x8xf32>
      %get3A_58 = arith.constant 0 : index
      %get3A_59 = arith.constant 0 : index
      %get3A_60 = vector.load %arg4[%get3A_58, %get3A_59] : memref<2048x8xf32, #tpu.memory_space<vmem>>, vector<2048x8xf32>
      %add3A = arith.addf %dot_general3A_57, %get3A_60 : vector<2048x8xf32>
      %reduce_max3A = arith.constant dense<0xFF800000> : vector<2048xf32>
      %reduce_max3A_61 = vector.multi_reduction <maximumf>, %add3A, %reduce_max3A [1] : vector<2048x8xf32> to vector<2048xf32>
      %broadcast_in_dim3A = vector.shape_cast %reduce_max3A_61 : vector<2048xf32> to vector<2048x1xf32>
      %sub3A = vector.broadcast %broadcast_in_dim3A : vector<2048x1xf32> to vector<2048x8xf32>
      %sub3A_62 = arith.subf %add3A, %sub3A : vector<2048x8xf32>
      %exp3A = math.exp %sub3A_62 : vector<2048x8xf32>
      %reduce_sum3A = arith.constant dense<0.000000e+00> : vector<2048xf32>
      %reduce_sum3A_63 = vector.multi_reduction <add>, %exp3A, %reduce_sum3A [1] : vector<2048x8xf32> to vector<2048xf32>
      %broadcast_in_dim3A_64 = vector.shape_cast %reduce_sum3A_63 : vector<2048xf32> to vector<2048x1xf32>
      %div3A = vector.broadcast %broadcast_in_dim3A_64 : vector<2048x1xf32> to vector<2048x8xf32>
      %div3A_65 = arith.divf %exp3A, %div3A : vector<2048x8xf32>
      %iota3A = tpu.iota {dimensions = array<i32: 1>} : vector<2048x8xi32>
      %reduce_max3A_66 = arith.constant dense<0xFF800000> : vector<2048xf32>
      %reduce_max3A_67 = vector.multi_reduction <maximumf>, %div3A_65, %reduce_max3A_66 [1] : vector<2048x8xf32> to vector<2048xf32>
      %broadcast_in_dim3A_68 = vector.shape_cast %reduce_max3A_67 : vector<2048xf32> to vector<2048x1xf32>
      %eq3A_69 = vector.broadcast %broadcast_in_dim3A_68 : vector<2048x1xf32> to vector<2048x8xf32>
      %eq3A_70 = arith.cmpf oeq, %div3A_65, %eq3A_69 : vector<2048x8xf32>
      %jit3A = arith.constant 8 : i32
      %broadcast_in_dim3A_71 = vector.broadcast %jit3A : i32 to vector<2048x8xi32>
      %select_n3A = arith.select %eq3A_70, %iota3A, %broadcast_in_dim3A_71 : vector<2048x8xi1>, vector<2048x8xi32>
      %reduce_min3A = arith.constant dense<2147483647> : vector<2048xi32>
      %reduce_min3A_72 = vector.multi_reduction <minsi>, %select_n3A, %reduce_min3A [1] : vector<2048x8xi32> to vector<2048xi32>
      %broadcast_in_dim3A_73 = vector.shape_cast %reduce_min3A_72 : vector<2048xi32> to vector<2048x1xi32>
      %eq3A_74 = vector.broadcast %broadcast_in_dim3A_73 : vector<2048x1xi32> to vector<2048x8xi32>
      %eq3A_75 = arith.cmpi eq, %iota3A, %eq3A_74 : vector<2048x8xi32>
      %jit3A_76 = arith.constant 0xFF800000 : f32
      %broadcast_in_dim3A_77 = vector.broadcast %jit3A_76 : f32 to vector<2048x8xf32>
      %select_n3A_78 = arith.select %eq3A_75, %broadcast_in_dim3A_77, %div3A_65 : vector<2048x8xi1>, vector<2048x8xf32>
      %reduce_max3A_79 = arith.constant dense<0xFF800000> : vector<2048xf32>
      %reduce_max3A_80 = vector.multi_reduction <maximumf>, %select_n3A_78, %reduce_max3A_79 [1] : vector<2048x8xf32> to vector<2048xf32>
      %broadcast_in_dim3A_81 = vector.shape_cast %reduce_max3A_80 : vector<2048xf32> to vector<2048x1xf32>
      %eq3A_82 = vector.broadcast %broadcast_in_dim3A_81 : vector<2048x1xf32> to vector<2048x8xf32>
      %eq3A_83 = arith.cmpf oeq, %select_n3A_78, %eq3A_82 : vector<2048x8xf32>
      %jit3A_84 = arith.constant 8 : i32
      %broadcast_in_dim3A_85 = vector.broadcast %jit3A_84 : i32 to vector<2048x8xi32>
      %select_n3A_86 = arith.select %eq3A_83, %iota3A, %broadcast_in_dim3A_85 : vector<2048x8xi1>, vector<2048x8xi32>
      %reduce_min3A_87 = arith.constant dense<2147483647> : vector<2048xi32>
      %reduce_min3A_88 = vector.multi_reduction <minsi>, %select_n3A_86, %reduce_min3A_87 [1] : vector<2048x8xi32> to vector<2048xi32>
      %broadcast_in_dim3A_89 = vector.shape_cast %reduce_min3A_88 : vector<2048xi32> to vector<2048x1xi32>
      %eq3A_90 = vector.broadcast %broadcast_in_dim3A_73 : vector<2048x1xi32> to vector<2048x8xi32>
      %eq3A_91 = arith.cmpi eq, %iota3A, %eq3A_90 : vector<2048x8xi32>
      %convert_element_type3A_92 = arith.extui %eq3A_91 : vector<2048x8xi1> to vector<2048x8xi32>
      %convert_element_type3A_93 = arith.sitofp %convert_element_type3A_92 : vector<2048x8xi32> to vector<2048x8xf32>
      %eq3A_94 = vector.broadcast %broadcast_in_dim3A_89 : vector<2048x1xi32> to vector<2048x8xi32>
      %eq3A_95 = arith.cmpi eq, %iota3A, %eq3A_94 : vector<2048x8xi32>
      %convert_element_type3A_96 = arith.extui %eq3A_95 : vector<2048x8xi1> to vector<2048x8xi32>
      %convert_element_type3A_97 = arith.sitofp %convert_element_type3A_96 : vector<2048x8xi32> to vector<2048x8xf32>
      %add3A_98 = arith.addf %convert_element_type3A_93, %convert_element_type3A_97 : vector<2048x8xf32>
      %swap3A = arith.constant 0 : index
      %swap3A_99 = arith.constant 0 : index
      %swap3A_100 = vector.load %arg14[%swap3A, %swap3A_99] : memref<2048x8xf32, #tpu.memory_space<vmem>>, vector<2048x8xf32>
      tpu.vector_store %arg14[%swap3A, %swap3A_99], %add3A_98 {strides = array<i32>} : memref<2048x8xf32, #tpu.memory_space<vmem>>, vector<2048x8xf32>,
      %iota3A_101 = tpu.iota {dimensions = array<i32: 0>} : vector<256x256xi32>
      %iota3A_102 = tpu.iota {dimensions = array<i32: 1>} : vector<256x256xi32>
      %gt3A = arith.cmpi sgt, %iota3A_101, %iota3A_102 : vector<256x256xi32>
      %convert_element_type3A_103 = arith.extui %gt3A : vector<256x256xi1> to vector<256x256xi32>
      %convert_element_type3A_104 = arith.sitofp %convert_element_type3A_103 : vector<256x256xi32> to vector<256x256xf32>
      %broadcast_in_dim3A_105 = arith.constant 0.000000e+00 : f32
      %broadcast_in_dim3A_106 = vector.broadcast %broadcast_in_dim3A_105 : f32 to vector<1x8xf32>
      %scan3A = arith.constant 0 : i32
      %scan3A_107 = arith.constant 8 : i32
      %scan3A_108 = arith.addi %scan3A, %scan3A_107 : i32
      %scan3A_109 = arith.constant 1 : i32
      %scan3A_110 = scf.for %scan3A_239 = %scan3A to %scan3A_108 step %scan3A_109 iter_args(%scan3A_240 = %broadcast_in_dim3A_106) -> (vector<1x8xf32>)  : i32 {
        %mul3A_241 = arith.constant 256 : i32
        %mul3A_242 = arith.muli %scan3A_239, %mul3A_241 : i32
        %get3A_243 = arith.index_cast %mul3A_242 : i32 to index
        %get3A_244 = arith.constant 0 : index
        %get3A_245 = vector.load %arg14[%get3A_243, %get3A_244] : memref<2048x8xf32, #tpu.memory_space<vmem>>, vector<256x8xf32>
        %dot_general3A_246 = arith.constant dense<0.000000e+00> : vector<256x8xf32>
        %dot_general3A_247 = tpu.matmul %convert_element_type3A_104, %get3A_245, %dot_general3A_246 {dimension_numbers = #tpu.dot_dimension_numbers<[1], [0], [0], [1], [0, 0, 1, 1], [], []>, transpose_lhs_hint = false} : vector<256x256xf32>, vector<256x8xf32>, vector<256x8xf32> -> vector<256x8xf32>
        %add3A_248 = vector.broadcast %scan3A_240 : vector<1x8xf32> to vector<256x8xf32>
        %add3A_249 = arith.addf %dot_general3A_247, %add3A_248 : vector<256x8xf32>
        %mul3A_250 = arith.constant 256 : i32
        %mul3A_251 = arith.muli %scan3A_239, %mul3A_250 : i32
        %swap3A_252 = arith.index_cast %mul3A_251 : i32 to index
        %swap3A_253 = arith.constant 0 : index
        %swap3A_254 = vector.load %arg15[%swap3A_252, %swap3A_253] : memref<2048x8xf32, #tpu.memory_space<vmem>>, vector<256x8xf32>
        tpu.vector_store %arg15[%swap3A_252, %swap3A_253], %add3A_249 {strides = array<i32>} : memref<2048x8xf32, #tpu.memory_space<vmem>>, vector<256x8xf32>,
        %reduce_sum3A_255 = arith.constant dense<0.000000e+00> : vector<8xf32>
        %reduce_sum3A_256 = vector.multi_reduction <add>, %get3A_245, %reduce_sum3A_255 [0] : vector<256x8xf32> to vector<8xf32>
        %broadcast_in_dim3A_257 = vector.shape_cast %reduce_sum3A_256 : vector<8xf32> to vector<1x8xf32>
        %add3A_258 = arith.addf %scan3A_240, %broadcast_in_dim3A_257 : vector<1x8xf32>
        scf.yield %add3A_258 : vector<1x8xf32>
      }
      %scan3A_111 = arith.constant 8 : i32
      %get3A_112 = arith.constant 0 : index
      %get3A_113 = arith.constant 0 : index
      %get3A_114 = vector.load %arg15[%get3A_112, %get3A_113] : memref<2048x8xf32, #tpu.memory_space<vmem>>, vector<2048x8xf32>
      %mul3A_115 = arith.mulf %get3A_114, %convert_element_type3A_93 : vector<2048x8xf32>
      %reduce_sum3A_116 = arith.constant dense<0.000000e+00> : vector<2048xf32>
      %reduce_sum3A_117 = vector.multi_reduction <add>, %mul3A_115, %reduce_sum3A_116 [1] : vector<2048x8xf32> to vector<2048xf32>
      %broadcast_in_dim3A_118 = vector.shape_cast %reduce_sum3A_117 : vector<2048xf32> to vector<2048x1xf32>
      %convert_element_type3A_119 = arith.fptosi %broadcast_in_dim3A_118 : vector<2048x1xf32> to vector<2048x1xi32>
      %mul3A_120 = arith.mulf %get3A_114, %convert_element_type3A_97 : vector<2048x8xf32>
      %reduce_sum3A_121 = arith.constant dense<0.000000e+00> : vector<2048xf32>
      %reduce_sum3A_122 = vector.multi_reduction <add>, %mul3A_120, %reduce_sum3A_121 [1] : vector<2048x8xf32> to vector<2048xf32>
      %broadcast_in_dim3A_123 = vector.shape_cast %reduce_sum3A_122 : vector<2048xf32> to vector<2048x1xf32>
      %convert_element_type3A_124 = arith.fptosi %broadcast_in_dim3A_123 : vector<2048x1xf32> to vector<2048x1xi32>
      %lt3A = arith.constant 640 : i32
      %lt3A_125 = vector.broadcast %lt3A : i32 to vector<2048x1xi32>
      %lt3A_126 = arith.cmpi slt, %convert_element_type3A_119, %lt3A_125 : vector<2048x1xi32>
      %lt3A_127 = arith.constant 640 : i32
      %lt3A_128 = vector.broadcast %lt3A_127 : i32 to vector<2048x1xi32>
      %lt3A_129 = arith.cmpi slt, %convert_element_type3A_124, %lt3A_128 : vector<2048x1xi32>
      %reduce_min3A_130 = vector.shape_cast %scan3A_110 : vector<1x8xf32> to vector<1x1x8xf32>
      %reduce_min3A_131 = arith.constant dense<0x7F800000> : vector<1xf32>
      %reduce_min3A_132 = vector.multi_reduction <minimumf>, %reduce_min3A_130, %reduce_min3A_131 [1, 2] : vector<1x1x8xf32> to vector<1xf32>
      %reduce_min3A_133 = vector.shape_cast %reduce_min3A_132 : vector<1xf32> to vector<1x1x1xf32>
      %reduce_min3A_134 = vector.extract %reduce_min3A_133[0, 0, 0] : f32 from vector<1x1x1xf32>
      %iota3A_135 = tpu.iota {dimensions = array<i32: 1>} : vector<1x8xi32>
      %eq3A_136 = vector.broadcast %reduce_min3A_134 : f32 to vector<1x8xf32>
      %eq3A_137 = arith.cmpf oeq, %scan3A_110, %eq3A_136 : vector<1x8xf32>
      %jit3A_138 = arith.constant 8 : i32
      %broadcast_in_dim3A_139 = vector.broadcast %jit3A_138 : i32 to vector<1x8xi32>
      %select_n3A_140 = arith.select %eq3A_137, %iota3A_135, %broadcast_in_dim3A_139 : vector<1x8xi1>, vector<1x8xi32>
      %reduce_min3A_141 = vector.shape_cast %select_n3A_140 : vector<1x8xi32> to vector<1x1x8xi32>
      %reduce_min3A_142 = arith.constant dense<2147483647> : vector<1xi32>
      %reduce_min3A_143 = vector.multi_reduction <minsi>, %reduce_min3A_141, %reduce_min3A_142 [1, 2] : vector<1x1x8xi32> to vector<1xi32>
      %reduce_min3A_144 = vector.shape_cast %reduce_min3A_143 : vector<1xi32> to vector<1x1x1xi32>
      %reduce_min3A_145 = vector.extract %reduce_min3A_144[0, 0, 0] : i32 from vector<1x1x1xi32>
      %mul3A_146 = arith.constant 640 : i32
      %mul3A_147 = arith.muli %reduce_min3A_145, %mul3A_146 : i32
      %convert_element_type3A_148 = arith.fptosi %reduce_min3A_134 : f32 to i32
      %add3A_149 = arith.addi %mul3A_147, %convert_element_type3A_148 : i32
      %mul3A_150 = arith.constant 640 : i32
      %mul3A_151 = vector.broadcast %mul3A_150 : i32 to vector<2048x1xi32>
      %mul3A_152 = arith.muli %broadcast_in_dim3A_73, %mul3A_151 : vector<2048x1xi32>
      %add3A_153 = arith.addi %mul3A_152, %convert_element_type3A_119 : vector<2048x1xi32>
      %broadcast_in_dim3A_154 = vector.broadcast %add3A_149 : i32 to vector<2048x1xi32>
      %select_n3A_155 = arith.select %lt3A_126, %add3A_153, %broadcast_in_dim3A_154 : vector<2048x1xi1>, vector<2048x1xi32>
      %mul3A_156 = arith.constant 640 : i32
      %mul3A_157 = vector.broadcast %mul3A_156 : i32 to vector<2048x1xi32>
      %mul3A_158 = arith.muli %broadcast_in_dim3A_89, %mul3A_157 : vector<2048x1xi32>
      %add3A_159 = arith.addi %mul3A_158, %convert_element_type3A_124 : vector<2048x1xi32>
      %broadcast_in_dim3A_160 = vector.broadcast %add3A_149 : i32 to vector<2048x1xi32>
      %select_n3A_161 = arith.select %lt3A_129, %add3A_159, %broadcast_in_dim3A_160 : vector<2048x1xi1>, vector<2048x1xi32>
      %concatenate3A = tpu.concatenate %select_n3A_155, %select_n3A_161 in 1 : vector<2048x1xi32>, vector<2048x1xi32> -> vector<2048x2xi32>
      %swap3A_162 = arith.constant 0 : index
      %swap3A_163 = arith.constant 0 : index
      %swap3A_164 = vector.load %arg9[%swap3A_162, %swap3A_163] : memref<2048x2xi32, #tpu.memory_space<vmem>>, vector<2048x2xi32>
      tpu.vector_store %arg9[%swap3A_162, %swap3A_163], %concatenate3A {strides = array<i32>} : memref<2048x2xi32, #tpu.memory_space<vmem>>, vector<2048x2xi32>,
      %jit3A_165 = arith.constant 0.000000e+00 : f32
      %broadcast_in_dim3A_166 = vector.broadcast %jit3A_165 : f32 to vector<2048x1xf32>
      %select_n3A_167 = arith.select %lt3A_126, %broadcast_in_dim3A_68, %broadcast_in_dim3A_166 : vector<2048x1xi1>, vector<2048x1xf32>
      %jit3A_168 = arith.constant 0.000000e+00 : f32
      %broadcast_in_dim3A_169 = vector.broadcast %jit3A_168 : f32 to vector<2048x1xf32>
      %select_n3A_170 = arith.select %lt3A_129, %broadcast_in_dim3A_81, %broadcast_in_dim3A_169 : vector<2048x1xi1>, vector<2048x1xf32>
      %concatenate3A_171 = tpu.concatenate %select_n3A_167, %select_n3A_170 in 1 : vector<2048x1xf32>, vector<2048x1xf32> -> vector<2048x2xf32>
      %swap3A_172 = arith.constant 0 : index
      %swap3A_173 = arith.constant 0 : index
      %swap3A_174 = vector.load %arg10[%swap3A_172, %swap3A_173] : memref<2048x2xf32, #tpu.memory_space<vmem>>, vector<2048x2xf32>
      tpu.vector_store %arg10[%swap3A_172, %swap3A_173], %concatenate3A_171 {strides = array<i32>} : memref<2048x2xf32, #tpu.memory_space<vmem>>, vector<2048x2xf32>,
      %iota3A_175 = tpu.iota {dimensions = array<i32: 1>} : vector<2048x640xi32>
      %iota3A_176 = tpu.iota {dimensions = array<i32: 0>} : vector<2048x1xi32>
      %and3A_177 = arith.constant 63 : i32
      %and3A_178 = vector.broadcast %and3A_177 : i32 to vector<2048x1xi32>
      %and3A_179 = arith.andi %iota3A_176, %and3A_178 : vector<2048x1xi32>
      %convert_element_type3A_180 = arith.sitofp %and3A_179 : vector<2048x1xi32> to vector<2048x1xf32>
      %shift_right_arithmetic3A = arith.constant 6 : i32
      %shift_right_arithmetic3A_181 = vector.broadcast %shift_right_arithmetic3A : i32 to vector<2048x1xi32>
      %shift_right_arithmetic3A_182 = arith.shrsi %iota3A_176, %shift_right_arithmetic3A_181 : vector<2048x1xi32>
      %convert_element_type3A_183 = arith.sitofp %shift_right_arithmetic3A_182 : vector<2048x1xi32> to vector<2048x1xf32>
      %eq3A_184 = vector.broadcast %convert_element_type3A_119 : vector<2048x1xi32> to vector<2048x640xi32>
      %eq3A_185 = arith.cmpi eq, %iota3A_175, %eq3A_184 : vector<2048x640xi32>
      %convert_element_type3A_186 = arith.extui %eq3A_185 : vector<2048x640xi1> to vector<2048x640xi32>
      %convert_element_type3A_187 = arith.sitofp %convert_element_type3A_186 : vector<2048x640xi32> to vector<2048x640xf32>
      %dot_general3A_188 = arith.constant dense<0.000000e+00> : vector<8x640xf32>
      %dot_general3A_189 = tpu.matmul %convert_element_type3A_93, %convert_element_type3A_187, %dot_general3A_188 {dimension_numbers = #tpu.dot_dimension_numbers<[0], [0], [1], [1], [0, 1, 1, 1], [], []>, transpose_lhs_hint = false} : vector<2048x8xf32>, vector<2048x640xf32>, vector<8x640xf32> -> vector<8x640xf32>
      %mul3A_190 = vector.broadcast %convert_element_type3A_180 : vector<2048x1xf32> to vector<2048x640xf32>
      %mul3A_191 = arith.mulf %convert_element_type3A_187, %mul3A_190 : vector<2048x640xf32>
      %dot_general3A_192 = arith.constant dense<0.000000e+00> : vector<8x640xf32>
      %dot_general3A_193 = tpu.matmul %convert_element_type3A_93, %mul3A_191, %dot_general3A_192 {dimension_numbers = #tpu.dot_dimension_numbers<[0], [0], [1], [1], [0, 1, 1, 1], [], []>, transpose_lhs_hint = false} : vector<2048x8xf32>, vector<2048x640xf32>, vector<8x640xf32> -> vector<8x640xf32>
      %mul3A_194 = vector.broadcast %convert_element_type3A_183 : vector<2048x1xf32> to vector<2048x640xf32>
      %mul3A_195 = arith.mulf %convert_element_type3A_187, %mul3A_194 : vector<2048x640xf32>
      %dot_general3A_196 = arith.constant dense<0.000000e+00> : vector<8x640xf32>
      %dot_general3A_197 = tpu.matmul %convert_element_type3A_93, %mul3A_195, %dot_general3A_196 {dimension_numbers = #tpu.dot_dimension_numbers<[0], [0], [1], [1], [0, 1, 1, 1], [], []>, transpose_lhs_hint = false} : vector<2048x8xf32>, vector<2048x640xf32>, vector<8x640xf32> -> vector<8x640xf32>
      %mul3A_198 = arith.constant 6.400000e+01 : f32
      %mul3A_199 = vector.broadcast %mul3A_198 : f32 to vector<8x640xf32>
      %mul3A_200 = arith.mulf %mul3A_199, %dot_general3A_197 : vector<8x640xf32>
      %add3A_201 = arith.addf %dot_general3A_193, %mul3A_200 : vector<8x640xf32>
      %eq3A_202 = vector.broadcast %convert_element_type3A_124 : vector<2048x1xi32> to vector<2048x640xi32>
      %eq3A_203 = arith.cmpi eq, %iota3A_175, %eq3A_202 : vector<2048x640xi32>
      %convert_element_type3A_204 = arith.extui %eq3A_203 : vector<2048x640xi1> to vector<2048x640xi32>
      %convert_element_type3A_205 = arith.sitofp %convert_element_type3A_204 : vector<2048x640xi32> to vector<2048x640xf32>
      %dot_general3A_206 = arith.constant dense<0.000000e+00> : vector<8x640xf32>
      %dot_general3A_207 = tpu.matmul %convert_element_type3A_97, %convert_element_type3A_205, %dot_general3A_206 {dimension_numbers = #tpu.dot_dimension_numbers<[0], [0], [1], [1], [0, 1, 1, 1], [], []>, transpose_lhs_hint = false} : vector<2048x8xf32>, vector<2048x640xf32>, vector<8x640xf32> -> vector<8x640xf32>
      %mul3A_208 = vector.broadcast %convert_element_type3A_180 : vector<2048x1xf32> to vector<2048x640xf32>
      %mul3A_209 = arith.mulf %convert_element_type3A_205, %mul3A_208 : vector<2048x640xf32>
      %dot_general3A_210 = arith.constant dense<0.000000e+00> : vector<8x640xf32>
      %dot_general3A_211 = tpu.matmul %convert_element_type3A_97, %mul3A_209, %dot_general3A_210 {dimension_numbers = #tpu.dot_dimension_numbers<[0], [0], [1], [1], [0, 1, 1, 1], [], []>, transpose_lhs_hint = false} : vector<2048x8xf32>, vector<2048x640xf32>, vector<8x640xf32> -> vector<8x640xf32>
      %mul3A_212 = vector.broadcast %convert_element_type3A_183 : vector<2048x1xf32> to vector<2048x640xf32>
      %mul3A_213 = arith.mulf %convert_element_type3A_205, %mul3A_212 : vector<2048x640xf32>
      %dot_general3A_214 = arith.constant dense<0.000000e+00> : vector<8x640xf32>
      %dot_general3A_215 = tpu.matmul %convert_element_type3A_97, %mul3A_213, %dot_general3A_214 {dimension_numbers = #tpu.dot_dimension_numbers<[0], [0], [1], [1], [0, 1, 1, 1], [], []>, transpose_lhs_hint = false} : vector<2048x8xf32>, vector<2048x640xf32>, vector<8x640xf32> -> vector<8x640xf32>
      %mul3A_216 = arith.constant 6.400000e+01 : f32
      %mul3A_217 = vector.broadcast %mul3A_216 : f32 to vector<8x640xf32>
      %mul3A_218 = arith.mulf %mul3A_217, %dot_general3A_215 : vector<8x640xf32>
      %add3A_219 = arith.addf %dot_general3A_211, %mul3A_218 : vector<8x640xf32>
      %add3A_220 = arith.addf %dot_general3A_189, %dot_general3A_207 : vector<8x640xf32>
      %add3A_221 = arith.addf %add3A_201, %add3A_219 : vector<8x640xf32>
      %convert_element_type3A_222 = arith.fptosi %add3A_221 : vector<8x640xf32> to vector<8x640xi32>
      %gt3A_223 = arith.constant 5.000000e-01 : f32
      %gt3A_224 = vector.broadcast %gt3A_223 : f32 to vector<8x640xf32>
      %gt3A_225 = arith.cmpf ogt, %add3A_220, %gt3A_224 : vector<8x640xf32>
      %jit3A_226 = arith.constant 2048 : i32
      %broadcast_in_dim3A_227 = vector.broadcast %jit3A_226 : i32 to vector<8x640xi32>
      %select_n3A_228 = arith.select %gt3A_225, %convert_element_type3A_222, %broadcast_in_dim3A_227 : vector<8x640xi1>, vector<8x640xi32>
      %swap3A_229 = arith.constant 0 : index
      %swap3A_230 = arith.constant 0 : index
      %swap3A_231 = vector.load %arg13[%swap3A_229, %swap3A_230] : memref<8x640xi32, #tpu.memory_space<vmem>>, vector<8x640xi32>
      tpu.vector_store %arg13[%swap3A_229, %swap3A_230], %select_n3A_228 {strides = array<i32>} : memref<8x640xi32, #tpu.memory_space<vmem>>, vector<8x640xi32>,
      %get3A_232 = arith.constant 0 : index
      %get3A_233 = arith.constant 0 : index
      %get3A_234 = vector.load %arg2[%get3A_232, %get3A_233] : memref<2048x768xf32, #tpu.memory_space<vmem>>, vector<2048x768xf32>
      %convert_element_type3A_235 = arith.truncf %get3A_234 : vector<2048x768xf32> to vector<2048x768xbf16>
      %swap3A_236 = arith.constant 0 : index
      %swap3A_237 = arith.constant 0 : index
      %swap3A_238 = vector.load %arg11[%swap3A_236, %swap3A_237] : memref<2048x768xbf16, #tpu.memory_space<vmem>>, vector<2048x768xbf16>
      tpu.vector_store %arg11[%swap3A_236, %swap3A_237], %convert_element_type3A_235 {strides = array<i32>} : memref<2048x768xbf16, #tpu.memory_space<vmem>>, vector<2048x768xbf16>,
    } else {
    }
    %eq3A_4 = arith.constant 0 : i32
    %eq3A_5 = arith.cmpi eq, %arg1, %eq3A_4 : i32
    %convert_element_type3A_6 = arith.extui %eq3A_5 : i1 to i32
    %cond3A_7 = arith.constant 0 : i32
    %cond3A_8 = arith.cmpi ne, %convert_element_type3A_6, %cond3A_7 : i32
    scf.if %cond3A_8 {
      %iota3A = tpu.iota {dimensions = array<i32: 0>} : vector<2048x640xi32>
      %get3A_50 = arith.index_cast %arg0 : i32 to index
      %get3A_51 = arith.constant 0 : index
      %get3A_52 = vector.load %arg13[%get3A_50, %get3A_51] : memref<8x640xi32, #tpu.memory_space<vmem>>, vector<1x640xi32>
      %eq3A_53 = vector.broadcast %get3A_52 : vector<1x640xi32> to vector<2048x640xi32>
      %eq3A_54 = arith.cmpi eq, %iota3A, %eq3A_53 : vector<2048x640xi32>
      %convert_element_type3A_55 = arith.extui %eq3A_54 : vector<2048x640xi1> to vector<2048x640xi32>
      %convert_element_type3A_56 = arith.sitofp %convert_element_type3A_55 : vector<2048x640xi32> to vector<2048x640xf32>
      %convert_element_type3A_57 = arith.truncf %convert_element_type3A_56 : vector<2048x640xf32> to vector<2048x640xbf16>
      %get3A_58 = arith.constant 0 : index
      %get3A_59 = arith.constant 0 : index
      %get3A_60 = vector.load %arg11[%get3A_58, %get3A_59] : memref<2048x768xbf16, #tpu.memory_space<vmem>>, vector<2048x768xbf16>
      %dot_general3A_61 = arith.constant dense<0.000000e+00> : vector<640x768xf32>
      %dot_general3A_62 = tpu.matmul %convert_element_type3A_57, %get3A_60, %dot_general3A_61 {dimension_numbers = #tpu.dot_dimension_numbers<[0], [0], [1], [1], [0, 1, 1, 1], [], []>, transpose_lhs_hint = false} : vector<2048x640xbf16>, vector<2048x768xbf16>, vector<640x768xf32> -> vector<640x768xf32>
      %convert_element_type3A_63 = arith.truncf %dot_general3A_62 : vector<640x768xf32> to vector<640x768xbf16>
      %swap3A = arith.constant 0 : index
      %swap3A_64 = arith.constant 0 : index
      %swap3A_65 = vector.load %arg12[%swap3A, %swap3A_64] : memref<640x768xbf16, #tpu.memory_space<vmem>>, vector<640x768xbf16>
      tpu.vector_store %arg12[%swap3A, %swap3A_64], %convert_element_type3A_63 {strides = array<i32>} : memref<640x768xbf16, #tpu.memory_space<vmem>>, vector<640x768xbf16>,
    } else {
    }
    %get3A = arith.constant 0 : index
    %get3A_9 = arith.constant 0 : index
    %get3A_10 = vector.load %arg12[%get3A, %get3A_9] : memref<640x768xbf16, #tpu.memory_space<vmem>>, vector<640x768xbf16>
    %get3A_11 = arith.constant 0 : index
    %get3A_12 = arith.constant 0 : index
    %get3A_13 = arith.constant 0 : index
    %get3A_14 = vector.load %arg5[%get3A_11, %get3A_12, %get3A_13] : memref<1x768x1536xf32, #tpu.memory_space<vmem>>, vector<1x768x1536xf32>
    %get3A_15 = vector.shape_cast %get3A_14 : vector<1x768x1536xf32> to vector<768x1536xf32>
    %convert_element_type3A_16 = arith.truncf %get3A_15 : vector<768x1536xf32> to vector<768x1536xbf16>
    %dot_general3A = arith.constant dense<0.000000e+00> : vector<640x1536xf32>
    %dot_general3A_17 = tpu.matmul %get3A_10, %convert_element_type3A_16, %dot_general3A {dimension_numbers = #tpu.dot_dimension_numbers<[1], [0], [0], [1], [0, 0, 1, 1], [], []>, transpose_lhs_hint = false} : vector<640x768xbf16>, vector<768x1536xbf16>, vector<640x1536xf32> -> vector<640x1536xf32>
    %get3A_18 = arith.constant 0 : index
    %get3A_19 = arith.constant 0 : index
    %get3A_20 = arith.constant 0 : index
    %get3A_21 = vector.load %arg6[%get3A_18, %get3A_19, %get3A_20] : memref<1x768x1536xf32, #tpu.memory_space<vmem>>, vector<1x768x1536xf32>
    %get3A_22 = vector.shape_cast %get3A_21 : vector<1x768x1536xf32> to vector<768x1536xf32>
    %convert_element_type3A_23 = arith.truncf %get3A_22 : vector<768x1536xf32> to vector<768x1536xbf16>
    %dot_general3A_24 = arith.constant dense<0.000000e+00> : vector<640x1536xf32>
    %dot_general3A_25 = tpu.matmul %get3A_10, %convert_element_type3A_23, %dot_general3A_24 {dimension_numbers = #tpu.dot_dimension_numbers<[1], [0], [0], [1], [0, 0, 1, 1], [], []>, transpose_lhs_hint = false} : vector<640x768xbf16>, vector<768x1536xbf16>, vector<640x1536xf32> -> vector<640x1536xf32>
    %logistic3A = arith.negf %dot_general3A_17 : vector<640x1536xf32>
    %logistic3A_26 = math.exp %logistic3A : vector<640x1536xf32>
    %logistic3A_27 = arith.constant 1.000000e+00 : f32
    %logistic3A_28 = vector.broadcast %logistic3A_27 : f32 to vector<640x1536xf32>
    %logistic3A_29 = arith.addf %logistic3A_28, %logistic3A_26 : vector<640x1536xf32>
    %logistic3A_30 = arith.divf %logistic3A_28, %logistic3A_29 : vector<640x1536xf32>
    %mul3A = arith.mulf %dot_general3A_17, %logistic3A_30 : vector<640x1536xf32>
    %mul3A_31 = arith.mulf %mul3A, %dot_general3A_25 : vector<640x1536xf32>
    %convert_element_type3A_32 = arith.truncf %mul3A_31 : vector<640x1536xf32> to vector<640x1536xbf16>
    %get3A_33 = arith.constant 0 : index
    %get3A_34 = arith.constant 0 : index
    %get3A_35 = arith.constant 0 : index
    %get3A_36 = vector.load %arg7[%get3A_33, %get3A_34, %get3A_35] : memref<1x1536x768xf32, #tpu.memory_space<vmem>>, vector<1x1536x768xf32>
    %get3A_37 = vector.shape_cast %get3A_36 : vector<1x1536x768xf32> to vector<1536x768xf32>
    %convert_element_type3A_38 = arith.truncf %get3A_37 : vector<1536x768xf32> to vector<1536x768xbf16>
    %dot_general3A_39 = arith.constant dense<0.000000e+00> : vector<640x768xf32>
    %dot_general3A_40 = tpu.matmul %convert_element_type3A_32, %convert_element_type3A_38, %dot_general3A_39 {dimension_numbers = #tpu.dot_dimension_numbers<[1], [0], [0], [1], [0, 0, 1, 1], [], []>, transpose_lhs_hint = false} : vector<640x1536xbf16>, vector<1536x768xbf16>, vector<640x768xf32> -> vector<640x768xf32>
    %eq3A_41 = arith.constant 0 : i32
    %eq3A_42 = arith.cmpi eq, %arg1, %eq3A_41 : i32
    %convert_element_type3A_43 = arith.extui %eq3A_42 : i1 to i32
    %cond3A_44 = arith.constant 0 : i32
    %cond3A_45 = arith.cmpi ne, %convert_element_type3A_43, %cond3A_44 : i32
    scf.if %cond3A_45 {
      %swap3A = arith.constant 0 : index
      %swap3A_50 = arith.constant 0 : index
      %swap3A_51 = vector.load %arg8[%swap3A, %swap3A_50] : memref<640x768xf32, #tpu.memory_space<vmem>>, vector<640x768xf32>
      tpu.vector_store %arg8[%swap3A, %swap3A_50], %dot_general3A_40 {strides = array<i32>} : memref<640x768xf32, #tpu.memory_space<vmem>>, vector<640x768xf32>,
    } else {
    }
    %ne3A = arith.constant 0 : i32
    %ne3A_46 = arith.cmpi ne, %arg1, %ne3A : i32
    %convert_element_type3A_47 = arith.extui %ne3A_46 : i1 to i32
    %cond3A_48 = arith.constant 0 : i32
    %cond3A_49 = arith.cmpi ne, %convert_element_type3A_47, %cond3A_48 : i32
    scf.if %cond3A_49 {
      %get3A_50 = arith.constant 0 : index
      %get3A_51 = arith.constant 0 : index
      %get3A_52 = vector.load %arg8[%get3A_50, %get3A_51] : memref<640x768xf32, #tpu.memory_space<vmem>>, vector<640x768xf32>
      %add3A = arith.addf %get3A_52, %dot_general3A_40 : vector<640x768xf32>
      %swap3A = arith.constant 0 : index
      %swap3A_53 = arith.constant 0 : index
      %swap3A_54 = vector.load %arg8[%swap3A, %swap3A_53] : memref<640x768xf32, #tpu.memory_space<vmem>>, vector<640x768xf32>
      tpu.vector_store %arg8[%swap3A, %swap3A_53], %add3A {strides = array<i32>} : memref<640x768xf32, #tpu.memory_space<vmem>>, vector<640x768xf32>,
    } else {
    }
    return
  }
  func.func @transform_0(%arg0: i32, %arg1: i32) -> (i32, i32) {
    %c0_i32 = arith.constant 0 : i32
    %c0_i32_0 = arith.constant 0 : i32
    %c0_i32_1 = arith.constant 0 : i32
    return %c0_i32, %c0_i32_0 : i32, i32
  }
  func.func @transform_1(%arg0: i32, %arg1: i32) -> (i32, i32) {
    %c0_i32 = arith.constant 0 : i32
    %c0_i32_0 = arith.constant 0 : i32
    %c0_i32_1 = arith.constant 0 : i32
    return %c0_i32, %c0_i32_0 : i32, i32
  }
  func.func @transform_2(%arg0: i32, %arg1: i32) -> (i32, i32) {
    %c0_i32 = arith.constant 0 : i32
    %c0_i32_0 = arith.constant 0 : i32
    %c0_i32_1 = arith.constant 0 : i32
    return %c0_i32, %c0_i32_0 : i32, i32
  }
  func.func @transform_3(%arg0: i32, %arg1: i32) -> (i32, i32, i32) {
    %c0_i32 = arith.constant 0 : i32
    %c0_i32_0 = arith.constant 0 : i32
    return %arg0, %c0_i32, %arg1 : i32, i32, i32
  }
  func.func @transform_4(%arg0: i32, %arg1: i32) -> (i32, i32, i32) {
    %c0_i32 = arith.constant 0 : i32
    %c0_i32_0 = arith.constant 0 : i32
    return %arg0, %c0_i32, %arg1 : i32, i32, i32
  }
  func.func @transform_5(%arg0: i32, %arg1: i32) -> (i32, i32, i32) {
    %c0_i32 = arith.constant 0 : i32
    %c0_i32_0 = arith.constant 0 : i32
    return %arg0, %arg1, %c0_i32 : i32, i32, i32
  }
  func.func @transform_6(%arg0: i32, %arg1: i32) -> (i32, i32) {
    %c0_i32 = arith.constant 0 : i32
    %c0_i32_0 = arith.constant 0 : i32
    return %arg0, %c0_i32 : i32, i32
  }
  func.func @transform_7(%arg0: i32, %arg1: i32) -> (i32, i32) {
    %c0_i32 = arith.constant 0 : i32
    %c0_i32_0 = arith.constant 0 : i32
    %c0_i32_1 = arith.constant 0 : i32
    return %c0_i32, %c0_i32_0 : i32, i32
  }
  func.func @transform_8(%arg0: i32, %arg1: i32) -> (i32, i32) {
    %c0_i32 = arith.constant 0 : i32
    %c0_i32_0 = arith.constant 0 : i32
    %c0_i32_1 = arith.constant 0 : i32
    return %c0_i32, %c0_i32_0 : i32, i32
  }
}

</mosaic_0001>

<sc_bundles>
// kernel: kernel.4.cloned.1.call-start
scs
__scs_entry_jumppad:
0x0: {  	(pc) =	sbr.rel $0x88, $3  }
0x1: {  	(tag) =	ssettag $0x0;
	lr =	simm.s32 $0x1  }
0x2: {  	[smem:$0x3F9C] =	sst lr;
	_ =	strace $0xD0000000  }
0x3: {  	_ = 	snop  }
0x4: {  	_ = 	snop  }
0x5: {  	_ = 	snop  }
0x6: {  	_ = 	snop  }
0x7: {  	_ = 	snop  }
__scs_overlays_trampoline_lowered:
0x8: {  	[smem:$0x3FAB] =	sst s0  }
0x9: {  	[smem:$0x3FAC] =	sst s1  }
0xa: {  	[smem:$0x3FAD] =	sst s2  }
0xb: {  	[smem:$0x3FAE] =	sst s3  }
0xc: {  	[smem:$0x3FAF] =	sst s4  }
0xd: {  	[smem:$0x3FB0] =	sst s5  }
0xe: {  	[smem:$0x3FB1] =	sst s6  }
0xf: {  	[smem:$0x3FB2] =	sst s7  }
0x10: {  	[smem:$0x3FB3] =	sst s8  }
0x11: {  	[smem:$0x3FB4] =	sst s9;
	s0 =	simm.s32 @!p0 $0x0  }
0x12: {  	s1 =	sld [smem:$0x3F9A];
	s0 =	simm.s32 @p0 $0x1  }
0x13: {  	[smem:$0x3FB5] =	sst s0;
	s0 =	simm.s32 @!p1 $0x0  }
0x14: {  	s2 =	sld [smem:$0x3F99];
	s0 =	simm.s32 @p1 $0x1  }
0x15: {  	[smem:$0x3FB6] =	sst s0;
	s0 =	simm.s32 @!p2 $0x0  }
0x16: {  	s3 =	sld [smem:$0x3FDB];
	s0 =	simm.s32 @p2 $0x1  }
0x17: {  	s4 =	simm.s32 $0x1BF5;
	[smem:$0x3FB8] =	sst s0  }
0x18: {  	s0 =	sld [smem:$0x3F9B];
	_ =	swait.ge [sflag:s4], $0x0  }
0x19: {  	s7 =	sld [smem:$0x3F9C]  }
0x1a: {  	s8 =	sadd.s32 $0xFFFFE003, lr  }
0x1b: {  	s9 =	sadd.s32 $0xFFFFFEF7, lr;
	s5 =	simm.s32 $0xFFFFFFFF;
	p2 =	slt.u32 s8, $0xFFFFF086  }
0x1c: {  	p1 =	slt.u32 s9, $0xF7A;
	s5 =	simm.s32 @!p2 $0x0  }
0x1d: {  	s5 =	simm.s32 @p1 $0x1;
	p0 =	seq.s32 s7, s2  }
0x1e: {  	s7 =	smul.u32 @!p0 $0xF7A, s2;
	p2 =	seq.s32 @!p0 s5, $0x0  }
0x1f: {  	s9 =	smul.u32 $0xF7A, s1;
	s8 =	simm.s32 @!p0 $0x1BF5;
	p2 =	por !p2, p0  }
0x20: {  	[sflag:s8] =	ssyncset.s32 @!p0 $0xFFFFF086;
	s6 =	sadd.s32 @!p0 s3, s7;
	s7 =	simm.s32 @!p0 $0x108  }
0x21: {  	s3 =	sadd.s32 s3, s9;
	s6 =	sadd.s32 @!p0 $0x88, s6;
	s7 =	simm.s32 @p2 $0x1082  }
0x22: {  	[simem:s7], [sflag:s8] =	dma.local @!p0 [hbm:s6], $0xF7A  }
0x23: {  	s9 =	sor.u32 $0xD0000000, s2;
	s6 =	simm.s32 $0x108;
	_ =	swait.ge @!p0 [sflag:s8], $0x0  }
0x24: {  	s3 =	sadd.s32 $0x88, s3;
	s6 =	simm.s32 @!p1 $0x1082;
	[sflag:s4] =	ssyncset.s32 $0xFFFFF086  }
0x25: {  	[simem:s6], [sflag:s4] =	dma.local [hbm:s3], $0xF7A  }
0x26: {  	[smem:$0x3F9C] =	sst s1;
	(tag) =	ssettag s2;
	_ =	strace s9  }
0x27: {  	s1 =	sld [smem:$0x3FAC]  }
0x28: {  	s2 =	sld [smem:$0x3FAD]  }
0x29: {  	s4 =	sld [smem:$0x3FAF]  }
0x2a: {  	p0 =	seq.s32 s5, $0x0;
	s5 =	sld [smem:$0x3FB0]  }
0x2b: {  	s6 =	sld [smem:$0x3FB1]  }
0x2c: {  	s7 =	sld [smem:$0x3FB2]  }
0x2d: {  	s3 =	simm.s32 $0x108;
	s8 =	sld [smem:$0x3FB3]  }
0x2e: {  	s3 =	simm.s32 @!p0 $0x1082;
	s9 =	sld [smem:$0x3FB4]  }
0x2f: {  	lr =	sadd.s32 s0, s3;
	s0 =	sld [smem:$0x3FAB]  }
0x30: {  	s3 =	sld [smem:$0x3FAE]  }
0x31: {  	[smem:$0x3FB7] =	sst s10  }
0x32: {  	s10 =	sld [smem:$0x3FB5];
	_ =	sdelay $0x3  }
0x33: {  	p0 =	seq.s32 s10, $0x1;
	s10 =	sld [smem:$0x3FB7];
	_ =	sdelay $0x3  }
0x34: {  	[smem:$0x3FB7] =	sst s10  }
0x35: {  	s10 =	sld [smem:$0x3FB6];
	_ =	sdelay $0x3  }
0x36: {  	p1 =	seq.s32 s10, $0x1;
	s10 =	sld [smem:$0x3FB7];
	_ =	sdelay $0x3  }
0x37: {  	[smem:$0x3FB7] =	sst s10  }
0x38: {  	s10 =	sld [smem:$0x3FB8]  }
0x39: {  	_ = 	snop;
	(pc) =	sbr.ind lr, $3  }
0x3a: {  	_ = 	snop  }
0x3b: {  	_ = 	snop  }
0x3c: {  	p2 =	seq.s32 s10, $0x1;
	s10 =	sld [smem:$0x3FB7]  }
0x3d: {  	_ =	shalt  }
0x3e: {  	_ =	shalt  }
0x3f: {  	_ =	shalt  }
0x40: {  	_ =	shalt  }
0x41: {  	_ =	shalt  }
0x42: {  	_ =	shalt  }
0x43: {  	_ =	shalt  }
0x44: {  	_ =	shalt  }
0x45: {  	_ =	shalt  }
0x46: {  	_ =	shalt  }
0x47: {  	_ =	shalt  }
0x48: {  	_ =	shalt  }
0x49: {  	_ =	shalt  }
0x4a: {  	_ =	shalt  }
0x4b: {  	_ =	shalt  }
0x4c: {  	_ =	shalt  }
0x4d: {  	_ =	shalt  }
0x4e: {  	_ =	shalt  }
0x4f: {  	_ =	shalt  }
0x50: {  	_ =	shalt  }
0x51: {  	_ =	shalt  }
0x52: {  	_ =	shalt  }
0x53: {  	_ =	shalt  }
0x54: {  	_ =	shalt  }
0x55: {  	_ =	shalt  }
0x56: {  	_ =	shalt  }
0x57: {  	_ =	shalt  }
0x58: {  	_ =	shalt  }
0x59: {  	_ =	shalt  }
0x5a: {  	_ =	shalt  }
0x5b: {  	_ =	shalt  }
0x5c: {  	_ =	shalt  }
0x5d: {  	_ =	shalt  }
0x5e: {  	_ =	shalt  }
0x5f: {  	_ =	shalt  }
0x60: {  	_ =	shalt  }
0x61: {  	_ =	shalt  }
0x62: {  	_ =	shalt  }
0x63: {  	_ =	shalt  }
0x64: {  	_ =	shalt  }
0x65: {  	_ =	shalt  }
0x66: {  	_ =	shalt  }
0x67: {  	_ =	shalt  }
0x68: {  	_ =	shalt  }
0x69: {  	_ =	shalt  }
0x6a: {  	_ =	shalt  }
0x6b: {  	_ =	shalt  }
0x6c: {  	_ =	shalt  }
0x6d: {  	_ =	shalt  }
0x6e: {  	_ =	shalt  }
0x6f: {  	_ =	shalt  }
0x70: {  	_ =	shalt  }
0x71: {  	_ =	shalt  }
0x72: {  	_ =	shalt  }
0x73: {  	_ =	shalt  }
0x74: {  	_ =	shalt  }
0x75: {  	_ =	shalt  }
0x76: {  	_ =	shalt  }
0x77: {  	_ =	shalt  }
0x78: {  	_ =	shalt  }
0x79: {  	_ =	shalt  }
0x7a: {  	_ =	shalt  }
0x7b: {  	_ =	shalt  }
0x7c: {  	_ =	shalt  }
0x7d: {  	_ =	shalt  }
0x7e: {  	_ =	shalt  }
0x7f: {  	_ =	shalt  }
0x80: {  	_ =	shalt  }
0x81: {  	_ =	shalt  }
0x82: {  	_ =	shalt  }
0x83: {  	_ =	shalt  }
0x84: {  	_ =	shalt  }
0x85: {  	_ =	shalt  }
0x86: {  	_ =	shalt  }
0x87: {  	_ =	shalt  }
.Lfunc_end0:
.L_simem_size_0:
called_computation_lowered:
.L_overlay_start_0:
0x88: {  	s2 =	sld [smem:$0x3FD9]  }
0x89: {  	s3 =	sld [smem:$0x3FFE];
	_ =	sdelay $0x1  }
0x8a: {  	s1 =	srdreg.scid  }
0x8b: {  	s0 =	sand.u32 $0x1, s1  }
0x8c: {  	s17 =	sshll.u32 s0, $0xA;
	s2 =	sadd.s32 s3, s2  }
0x8d: {  	s2 =	sadd.s32 s2, s17  }
0x8e: {  	[smem:$0x3FC3] =	sst s2  }
0x8f: {  	_ = 	snop  }
0x90: {  	s2 =	sld [smem:$0x3FD0];
	(tm) =	ssettm $0x1  }
0x91: {  	s18 =	sld [smem:$0x3FFB];
	_ =	sdelay $0x3  }
0x92: {  	_ =	strace s18  }
0x93: {  	s3 =	sld [smem:$0x3FFC];
	_ =	sdelay $0x3  }
0x94: {  	_ =	strace s3  }
0x95: {  	s3 =	sld [smem:$0x3FFD];
	_ =	sdelay $0x3  }
0x96: {  	_ =	strace s3  }
0x97: {  	_ =	strace $0x8FFFFFFF  }
0x98: {  	s19 =	sld [smem:$0x3FDB];
	_ =	sdelay $0x1  }
0x99: {  	s4 =	simm.s32 $_scs_section_size  }
0x9a: {  	s5 =	simm.s32 $_size__tile_overlayer_lowered;
	s6 =	simm.s32 $_tile_overlayer_lowered  }
0x9b: {  	s22 =	simm.s32 $0x1BFF;
	s21 =	sshll.u32 s6, $0x1;
	s3 =	sadd.s32 s4, s19  }
0x9c: {  	s7 =	simm.s32 $0x0;
	s20 =	sshll.u32 s5, $0x1;
	s5 =	sadd.s32 s21, s3  }
0x9d: {  	[timem:s7], [sflag:s22] =	dma.local [hbm:s5], s20  }
0x9e: {  	_ =	swait.ge [sflag:s22], s20  }
0x9f: {  	s4 =	ssub.s32 $0x0, s20;
	[sflag:s22] =	ssyncset.done $0x0  }
0xa0: {  	[sflag:s22] =	ssyncadd.s32 s4;
	_ =	sdelay $0x1  }
0xa1: {  	s23 =	simm.s32 $0x1B8B  }
0xa2: {  	_ =	swait.ge [sflag:s23], $0x1  }
0xa3: {  	[sflag:s23] =	ssyncset.done $0x0  }
0xa4: {  	s25 =	simm.s32 $0x1B8E;
	s24 =	sld [smem:$0x3FFE];
	[sflag:s23] =	ssyncadd.s32 $0xFFFFFFFF  }
0xa5: {  	s26 =	simm.s32 $execute0_lowered;
	[smem:$0x3FD2] =	sst s25  }
0xa6: {  	s5 =	sshll.u32 s26, $0x1;
	_ =	strace $0x80000046;
	[dreg:$0x1] =	wrdreg $0xFFFFFFFF  }
0xa7: {  	s28 =	simm.s32 $_size_execute0_lowered;
	s3 =	sadd.s32 s3, s5;
	[dreg:$0x0] =	wrdreg $0x0  }
0xa8: {  	s5 =	sshll.u32 s28, $0x1;
	[dreg:$0x2] =	wrdreg s3  }
0xa9: {  	[dreg:$0x3] =	wrdreg s5  }
0xaa: {  	[dreg:$0x4] =	wrdreg $0xC0  }
0xab: {  	_ =	task [dreg:s7], $0x5FFFF  }
0xac: {  	[dreg:$0x1] =	wrdreg $0xFFFFFFFF  }
0xad: {  	[dreg:$0x0] =	wrdreg $0x60  }
0xae: {  	[dreg:$0x2] =	wrdreg s24  }
0xaf: {  	[dreg:$0x3] =	wrdreg s2  }
0xb0: {  	[dreg:$0x4] =	wrdreg $0x9  }
0xb1: {  	_ =	task.clear_ibuf [dreg:s7], $0x5FFFF;
	_ =	strace $0x90000046  }
0xb2: {  	s29 =	simm.s32 $0x9;
	_ =	strace $0x80000048  }
0xb3: {  	_ =	swait.ge [sflag:s29], $0x1  }
0xb4: {  	[sflag:s29] =	ssyncadd.s32 $0xFFFFFFFF  }
0xb5: {  	_ =	strace $0x90000048  }
0xb6: {  	_ =	sfence  }
0xb7: {  	s30 =	sld [smem:$0x0];
	_ =	sdelay $0x2  }
0xb8: {  	s31 =	sshll.u32 s1, $0xD;
	s1 =	sshrl.u32 s1, $0x2  }
0xb9: {  	s3 =	sand.u32 $0x4000, s31;
	s1 =	sadd.s32 s1, s30  }
0xba: {  	s0 =	sor.u32 s3, s0;
	s1 =	sshll.u32 s1, $0x11  }
0xbb: {  	s0 =	sor.u32 s1, s0  }
0xbc: {  	s0 =	sadd.s32 $0x8F2B, s0  }
0xbd: {  	[sflag:s0] =	ssyncadd.remote.s32 $0x1  }
0xbe: {  	_ =	sfence.sel $0xFFFF  }
0xbf: {  	[dreg:$0x0] =	wrdreg $0xFFFFFFFF;
	(pc) =	sbr.abs _section_cstart, $3  }
0xc0: {  	[dreg:$0x1] =	wrdreg $0xFFFFFFFF  }
0xc1: {  	_ =	task.clear_ibuf [dreg:s7], $0x2FFFF;
	_ =	strace $0x9FFFFFFF  }
0xc2: {  	(tm) =	ssettm $0x7FFFFFFF  }
0xc3: {  	_ =	shalt  }
tec
execute0_lowered:
.L_overlay_start_1:
0x0: {  	(tag) =	ssettag $0x1  }
0x1: {  	s0 =	rddreg [dreg:$0x0]  }
0x2: {  	s1 =	rddreg [dreg:$0x1];
	s3 =	srdreg.scid  }
0x3: {  	s4 =	stileid.u32;
	s2 =	simm.s32 $0x0;
	s11 =	simm.s32 $0x3  }
0x4: {  	s12 =	simm.s32 $0x80;
	s18 =	simm.s32 $0x16900;
	s19 =	simm.s32 $0x17100  }
0x5: {  	s20 =	simm.s32 $0x17900;
	s21 =	simm.s32 $0x1;
	s22 =	simm.s32 $0x18100  }
0x6: {  	s23 =	simm.s32 $0x2;
	s3 =	sand.u32 $0x1, s3;
	s4 =	sshll.u32 s4, $0x1  }
0x7: {  	s24 =	simm.s32 $0x0;
	[smem:$0x7FF] =	sst s2;
	s6 =	sor.u32 s3, s4  }
0x8: {  	_ =	strace $0x80000047;
	s5 =	ssub.s32 $0x2, s3;
	s3 =	sadd.s32 $0x13800, s0  }
0x9: {  	s4 =	sshll.u32 s6, $0x4;
	s30 =	sshrl.u32 s5, $0x1;
	s8 =	smul.u32 $0xC000, s6  }
0xa: {  	s9 =	smul.u32 $0x1800, s6;
	s6 =	sadd.s32 $0x13900, s0;
	s7 =	sadd.s32 s4, s0  }
0xb: {  	v2 =	vlaneseq.u32;
	s10 =	ssub.s32 s5, s30;
	s4 =	sadd.s32 $0x800, s7;
	s8 =	sshrl.u32 s8, $0x3  }
0xc: {  	vm0 =	vmmov $0xffff;
	v1 =	vshrl.u32 v2, $0x3;
	s5 =	sadd.s32 $0xA00, s7;
	s7 =	sadd.s32 $0x13A00, s0;
	s31 =	sadd.s32 s1, s8  }
0xd: {  	v0 =	vand.u32 $0x7, v2;
	v2 =	vor.u32 $0x8, v2;
	v1 =	vmul.u32 $0x8, v1;
	s10 =	smax.u32 s10, $0x1;
	s8 =	sadd.s32 s1, s9;
	s9 =	sadd.s32 $0xC00, s31  }
.LBB2_1:
0xe: {  	[tilespmem:s2], [sflag:$0x3] =	stream.linear.gather [hbm4b:s4+s2], $0x80, $0x38;
	[tilespmem:$0x1E100] =	vst v63  }
0xf: {  	_ =	swait.ge [sflag:s11], $0x80  }
0x10: {  	[sflag:s11] =	ssyncset.done $0x0  }
0x11: {  	[sflag:s11] =	ssyncadd.s32 $0xFFFFFF80  }
0x12: {  	[tilespmem:s12], [sflag:$0x3] =	stream.linear.gather [hbm4b:s5+s2], $0x80, $0x38;
	[tilespmem:$0x1E100] =	vst v63  }
0x13: {  	_ =	swait.ge [sflag:s11], $0x80  }
0x14: {  	[sflag:s11] =	ssyncset.done $0x0  }
0x15: {  	[sflag:s11] =	ssyncadd.s32 $0xFFFFFF80  }
0x16: {  	v3 =	vld [tilespmem:$0x0];
	_ =	sdelay $0x4  }
0x17: {  	v4 =	vshrl.u32 v3, $0x3  }
0x18: {  	v4 =	vmul.u32 $0x30, v4  }
0x19: {  	v3 =	vand.u32 $0x7, v3  }
0x1a: {  	v3 =	vor.u32 v3, v4  }
0x1b: {  	v4 =	vperm.xlane v3, v0;
	_ =	sdelay $0x1  }
0x1c: {  	v4 =	vadd.s32 v1, v4;
	_ =	sdelay $0x3  }
0x1d: {  	s0 =	simm.s32 $0x100;
	v3 =	vperm.xlane v3, v2  }
0x1e: {  	[tilespmem:s0], [sflag:$0x1] =	stream.indirect_vreg.gather [hbm4b:s3+s2], $0x80, v4, vm0, $0xb8;
	[tilespmem:$0x1E100] =	vst v63  }
0x1f: {  	s16 =	simm.s32 $0x900;
	v3 =	vadd.s32 v1, v3  }
0x20: {  	[tilespmem:s16], [sflag:$0x1] =	stream.indirect_vreg.gather [hbm4b:s6+s2], $0x80, v4, vm0, $0xb8;
	[tilespmem:$0x1E100] =	vst v63  }
0x21: {  	s17 =	simm.s32 $0x1100  }
0x22: {  	[tilespmem:s17], [sflag:$0x1] =	stream.indirect_vreg.gather [hbm4b:s7+s2], $0x80, v4, vm0, $0xb8;
	[tilespmem:$0x1E100] =	vst v63  }
0x23: {  	s25 =	simm.s32 $0x1900  }
0x24: {  	[tilespmem:s25], [sflag:$0x1] =	stream.indirect_vreg.gather [hbm4b:s3+s2], $0x80, v3, vm0, $0xb8;
	[tilespmem:$0x1E100] =	vst v63  }
0x25: {  	s26 =	simm.s32 $0x2100  }
0x26: {  	[tilespmem:s26], [sflag:$0x1] =	stream.indirect_vreg.gather [hbm4b:s6+s2], $0x80, v3, vm0, $0xb8;
	[tilespmem:$0x1E100] =	vst v63  }
0x27: {  	s28 =	simm.s32 $0x2900  }
0x28: {  	[tilespmem:s28], [sflag:$0x1] =	stream.indirect_vreg.gather [hbm4b:s7+s2], $0x80, v3, vm0, $0xb8;
	[tilespmem:$0x1E100] =	vst v63  }
0x29: {  	v3 =	vld [tilespmem:$0x10];
	_ =	sdelay $0x4  }
0x2a: {  	v57 =	vshrl.u32 v3, $0x3  }
0x2b: {  	v4 =	vmul.u32 $0x30, v57  }
0x2c: {  	v3 =	vand.u32 $0x7, v3  }
0x2d: {  	v3 =	vor.u32 v3, v4  }
0x2e: {  	v4 =	vperm.xlane v3, v0;
	_ =	sdelay $0x1  }
0x2f: {  	v4 =	vadd.s32 v1, v4;
	_ =	sdelay $0x3  }
0x30: {  	s29 =	simm.s32 $0x3100;
	v3 =	vperm.xlane v3, v2  }
0x31: {  	[tilespmem:s29], [sflag:$0x1] =	stream.indirect_vreg.gather [hbm4b:s3+s2], $0x80, v4, vm0, $0xb8;
	[tilespmem:$0x1E100] =	vst v63  }
0x32: {  	s30 =	simm.s32 $0x3900;
	v3 =	vadd.s32 v1, v3  }
0x33: {  	[tilespmem:s30], [sflag:$0x1] =	stream.indirect_vreg.gather [hbm4b:s6+s2], $0x80, v4, vm0, $0xb8;
	[tilespmem:$0x1E100] =	vst v63  }
0x34: {  	s31 =	simm.s32 $0x4100  }
0x35: {  	[tilespmem:s31], [sflag:$0x1] =	stream.indirect_vreg.gather [hbm4b:s7+s2], $0x80, v4, vm0, $0xb8;
	[tilespmem:$0x1E100] =	vst v63  }
0x36: {  	s1 =	simm.s32 $0x4900  }
0x37: {  	[tilespmem:s1], [sflag:$0x1] =	stream.indirect_vreg.gather [hbm4b:s3+s2], $0x80, v3, vm0, $0xb8;
	[tilespmem:$0x1E100] =	vst v63  }
0x38: {  	s13 =	simm.s32 $0x5100  }
0x39: {  	[tilespmem:s13], [sflag:$0x1] =	stream.indirect_vreg.gather [hbm4b:s6+s2], $0x80, v3, vm0, $0xb8;
	[tilespmem:$0x1E100] =	vst v63  }
0x3a: {  	s14 =	simm.s32 $0x5900  }
0x3b: {  	[tilespmem:s14], [sflag:$0x1] =	stream.indirect_vreg.gather [hbm4b:s7+s2], $0x80, v3, vm0, $0xb8;
	[tilespmem:$0x1E100] =	vst v63  }
0x3c: {  	v3 =	vld [tilespmem:$0x20];
	_ =	sdelay $0x4  }
0x3d: {  	v58 =	vshrl.u32 v3, $0x3  }
0x3e: {  	v4 =	vmul.u32 $0x30, v58  }
0x3f: {  	v3 =	vand.u32 $0x7, v3  }
0x40: {  	v3 =	vor.u32 v3, v4  }
0x41: {  	v4 =	vperm.xlane v3, v0;
	_ =	sdelay $0x1  }
0x42: {  	v4 =	vadd.s32 v1, v4;
	_ =	sdelay $0x3  }
0x43: {  	s15 =	simm.s32 $0x6100;
	v3 =	vperm.xlane v3, v2  }
0x44: {  	[tilespmem:s15], [sflag:$0x1] =	stream.indirect_vreg.gather [hbm4b:s3+s2], $0x80, v4, vm0, $0xb8;
	[tilespmem:$0x1E100] =	vst v63  }
0x45: {  	s16 =	simm.s32 $0x6900;
	v3 =	vadd.s32 v1, v3  }
0x46: {  	[tilespmem:s16], [sflag:$0x1] =	stream.indirect_vreg.gather [hbm4b:s6+s2], $0x80, v4, vm0, $0xb8;
	[tilespmem:$0x1E100] =	vst v63  }
0x47: {  	s17 =	simm.s32 $0x7100  }
0x48: {  	[tilespmem:s17], [sflag:$0x1] =	stream.indirect_vreg.gather [hbm4b:s7+s2], $0x80, v4, vm0, $0xb8;
	[tilespmem:$0x1E100] =	vst v63  }
0x49: {  	s25 =	simm.s32 $0x7900  }
0x4a: {  	[tilespmem:s25], [sflag:$0x1] =	stream.indirect_vreg.gather [hbm4b:s3+s2], $0x80, v3, vm0, $0xb8;
	[tilespmem:$0x1E100] =	vst v63  }
0x4b: {  	s26 =	simm.s32 $0x8100  }
0x4c: {  	[tilespmem:s26], [sflag:$0x1] =	stream.indirect_vreg.gather [hbm4b:s6+s2], $0x80, v3, vm0, $0xb8;
	[tilespmem:$0x1E100] =	vst v63  }
0x4d: {  	s28 =	simm.s32 $0x8900  }
0x4e: {  	[tilespmem:s28], [sflag:$0x1] =	stream.indirect_vreg.gather [hbm4b:s7+s2], $0x80, v3, vm0, $0xb8;
	[tilespmem:$0x1E100] =	vst v63  }
0x4f: {  	v3 =	vld [tilespmem:$0x30];
	_ =	sdelay $0x4  }
0x50: {  	v59 =	vshrl.u32 v3, $0x3  }
0x51: {  	v4 =	vmul.u32 $0x30, v59  }
0x52: {  	v3 =	vand.u32 $0x7, v3  }
0x53: {  	v3 =	vor.u32 v3, v4  }
0x54: {  	v4 =	vperm.xlane v3, v0;
	_ =	sdelay $0x1  }
0x55: {  	v4 =	vadd.s32 v1, v4;
	_ =	sdelay $0x3  }
0x56: {  	s29 =	simm.s32 $0x9100;
	v3 =	vperm.xlane v3, v2  }
0x57: {  	[tilespmem:s29], [sflag:$0x1] =	stream.indirect_vreg.gather [hbm4b:s3+s2], $0x80, v4, vm0, $0xb8;
	[tilespmem:$0x1E100] =	vst v63  }
0x58: {  	s30 =	simm.s32 $0x9900;
	v3 =	vadd.s32 v1, v3  }
0x59: {  	[tilespmem:s30], [sflag:$0x1] =	stream.indirect_vreg.gather [hbm4b:s6+s2], $0x80, v4, vm0, $0xb8;
	[tilespmem:$0x1E100] =	vst v63  }
0x5a: {  	s31 =	simm.s32 $0xA100  }
0x5b: {  	[tilespmem:s31], [sflag:$0x1] =	stream.indirect_vreg.gather [hbm4b:s7+s2], $0x80, v4, vm0, $0xb8;
	[tilespmem:$0x1E100] =	vst v63  }
0x5c: {  	s1 =	simm.s32 $0xA900  }
0x5d: {  	[tilespmem:s1], [sflag:$0x1] =	stream.indirect_vreg.gather [hbm4b:s3+s2], $0x80, v3, vm0, $0xb8;
	[tilespmem:$0x1E100] =	vst v63  }
0x5e: {  	s13 =	simm.s32 $0xB100  }
0x5f: {  	[tilespmem:s13], [sflag:$0x1] =	stream.indirect_vreg.gather [hbm4b:s6+s2], $0x80, v3, vm0, $0xb8;
	[tilespmem:$0x1E100] =	vst v63  }
0x60: {  	s14 =	simm.s32 $0xB900  }
0x61: {  	[tilespmem:s14], [sflag:$0x1] =	stream.indirect_vreg.gather [hbm4b:s7+s2], $0x80, v3, vm0, $0xb8;
	[tilespmem:$0x1E100] =	vst v63  }
0x62: {  	v3 =	vld [tilespmem:$0x40];
	_ =	sdelay $0x4  }
0x63: {  	v60 =	vshrl.u32 v3, $0x3  }
0x64: {  	v4 =	vmul.u32 $0x30, v60  }
0x65: {  	v3 =	vand.u32 $0x7, v3  }
0x66: {  	v3 =	vor.u32 v3, v4  }
0x67: {  	v4 =	vperm.xlane v3, v0;
	_ =	sdelay $0x1  }
0x68: {  	v4 =	vadd.s32 v1, v4;
	_ =	sdelay $0x3  }
0x69: {  	s15 =	simm.s32 $0xC100;
	v3 =	vperm.xlane v3, v2  }
0x6a: {  	[tilespmem:s15], [sflag:$0x2] =	stream.indirect_vreg.gather [hbm4b:s3+s2], $0x80, v4, vm0, $0xb8;
	[tilespmem:$0x1E100] =	vst v63  }
0x6b: {  	s16 =	simm.s32 $0xC900;
	v3 =	vadd.s32 v1, v3  }
0x6c: {  	[tilespmem:s16], [sflag:$0x2] =	stream.indirect_vreg.gather [hbm4b:s6+s2], $0x80, v4, vm0, $0xb8;
	[tilespmem:$0x1E100] =	vst v63  }
0x6d: {  	s17 =	simm.s32 $0xD100  }
0x6e: {  	[tilespmem:s17], [sflag:$0x2] =	stream.indirect_vreg.gather [hbm4b:s7+s2], $0x80, v4, vm0, $0xb8;
	[tilespmem:$0x1E100] =	vst v63  }
0x6f: {  	s25 =	simm.s32 $0xD900  }
0x70: {  	[tilespmem:s25], [sflag:$0x2] =	stream.indirect_vreg.gather [hbm4b:s3+s2], $0x80, v3, vm0, $0xb8;
	[tilespmem:$0x1E100] =	vst v63  }
0x71: {  	s26 =	simm.s32 $0xE100  }
0x72: {  	[tilespmem:s26], [sflag:$0x2] =	stream.indirect_vreg.gather [hbm4b:s6+s2], $0x80, v3, vm0, $0xb8;
	[tilespmem:$0x1E100] =	vst v63  }
0x73: {  	s28 =	simm.s32 $0xE900  }
0x74: {  	[tilespmem:s28], [sflag:$0x2] =	stream.indirect_vreg.gather [hbm4b:s7+s2], $0x80, v3, vm0, $0xb8;
	[tilespmem:$0x1E100] =	vst v63  }
0x75: {  	v3 =	vld [tilespmem:$0x50];
	_ =	sdelay $0x4  }
0x76: {  	v61 =	vshrl.u32 v3, $0x3  }
0x77: {  	v4 =	vmul.u32 $0x30, v61  }
0x78: {  	v3 =	vand.u32 $0x7, v3  }
0x79: {  	v3 =	vor.u32 v3, v4  }
0x7a: {  	v4 =	vperm.xlane v3, v0;
	_ =	sdelay $0x1  }
0x7b: {  	v4 =	vadd.s32 v1, v4;
	_ =	sdelay $0x3  }
0x7c: {  	s29 =	simm.s32 $0xF100;
	v3 =	vperm.xlane v3, v2  }
0x7d: {  	[tilespmem:s29], [sflag:$0x2] =	stream.indirect_vreg.gather [hbm4b:s3+s2], $0x80, v4, vm0, $0xb8;
	[tilespmem:$0x1E100] =	vst v63  }
0x7e: {  	s30 =	simm.s32 $0xF900;
	v3 =	vadd.s32 v1, v3  }
0x7f: {  	[tilespmem:s30], [sflag:$0x2] =	stream.indirect_vreg.gather [hbm4b:s6+s2], $0x80, v4, vm0, $0xb8;
	[tilespmem:$0x1E100] =	vst v63  }
0x80: {  	s31 =	simm.s32 $0x10100  }
0x81: {  	[tilespmem:s31], [sflag:$0x2] =	stream.indirect_vreg.gather [hbm4b:s7+s2], $0x80, v4, vm0, $0xb8;
	[tilespmem:$0x1E100] =	vst v63  }
0x82: {  	s1 =	simm.s32 $0x10900  }
0x83: {  	[tilespmem:s1], [sflag:$0x2] =	stream.indirect_vreg.gather [hbm4b:s3+s2], $0x80, v3, vm0, $0xb8;
	[tilespmem:$0x1E100] =	vst v63  }
0x84: {  	s13 =	simm.s32 $0x11100  }
0x85: {  	[tilespmem:s13], [sflag:$0x2] =	stream.indirect_vreg.gather [hbm4b:s6+s2], $0x80, v3, vm0, $0xb8;
	[tilespmem:$0x1E100] =	vst v63  }
0x86: {  	s14 =	simm.s32 $0x11900  }
0x87: {  	[tilespmem:s14], [sflag:$0x2] =	stream.indirect_vreg.gather [hbm4b:s7+s2], $0x80, v3, vm0, $0xb8;
	[tilespmem:$0x1E100] =	vst v63  }
0x88: {  	v3 =	vld [tilespmem:$0x60];
	_ =	sdelay $0x4  }
0x89: {  	v62 =	vshrl.u32 v3, $0x3  }
0x8a: {  	v4 =	vmul.u32 $0x30, v62  }
0x8b: {  	v3 =	vand.u32 $0x7, v3  }
0x8c: {  	v3 =	vor.u32 v3, v4  }
0x8d: {  	v4 =	vperm.xlane v3, v0;
	_ =	sdelay $0x1  }
0x8e: {  	v4 =	vadd.s32 v1, v4;
	_ =	sdelay $0x3  }
0x8f: {  	s15 =	simm.s32 $0x12100;
	v3 =	vperm.xlane v3, v2  }
0x90: {  	[tilespmem:s15], [sflag:$0x2] =	stream.indirect_vreg.gather [hbm4b:s3+s2], $0x80, v4, vm0, $0xb8;
	[tilespmem:$0x1E100] =	vst v63  }
0x91: {  	s16 =	simm.s32 $0x12900;
	v3 =	vadd.s32 v1, v3  }
0x92: {  	[tilespmem:s16], [sflag:$0x2] =	stream.indirect_vreg.gather [hbm4b:s6+s2], $0x80, v4, vm0, $0xb8;
	[tilespmem:$0x1E100] =	vst v63  }
0x93: {  	s17 =	simm.s32 $0x13100  }
0x94: {  	[tilespmem:s17], [sflag:$0x2] =	stream.indirect_vreg.gather [hbm4b:s7+s2], $0x80, v4, vm0, $0xb8;
	[tilespmem:$0x1E100] =	vst v63  }
0x95: {  	s25 =	simm.s32 $0x13900  }
0x96: {  	[tilespmem:s25], [sflag:$0x2] =	stream.indirect_vreg.gather [hbm4b:s3+s2], $0x80, v3, vm0, $0xb8;
	[tilespmem:$0x1E100] =	vst v63  }
0x97: {  	s26 =	simm.s32 $0x14100  }
0x98: {  	[tilespmem:s26], [sflag:$0x2] =	stream.indirect_vreg.gather [hbm4b:s6+s2], $0x80, v3, vm0, $0xb8;
	[tilespmem:$0x1E100] =	vst v63  }
0x99: {  	s28 =	simm.s32 $0x14900  }
0x9a: {  	[tilespmem:s28], [sflag:$0x2] =	stream.indirect_vreg.gather [hbm4b:s7+s2], $0x80, v3, vm0, $0xb8;
	[tilespmem:$0x1E100] =	vst v63  }
0x9b: {  	v3 =	vld [tilespmem:$0x70];
	_ =	sdelay $0x4  }
0x9c: {  	v63 =	vshrl.u32 v3, $0x3  }
0x9d: {  	v4 =	vmul.u32 $0x30, v63  }
0x9e: {  	v3 =	vand.u32 $0x7, v3  }
0x9f: {  	v3 =	vor.u32 v3, v4  }
0xa0: {  	v4 =	vperm.xlane v3, v0;
	_ =	sdelay $0x1  }
0xa1: {  	v4 =	vadd.s32 v1, v4;
	_ =	sdelay $0x3  }
0xa2: {  	s29 =	simm.s32 $0x15100;
	v3 =	vperm.xlane v3, v2  }
0xa3: {  	[tilespmem:s29], [sflag:$0x2] =	stream.indirect_vreg.gather [hbm4b:s3+s2], $0x80, v4, vm0, $0xb8;
	[tilespmem:$0x1E100] =	vst v63  }
0xa4: {  	s30 =	simm.s32 $0x15900;
	v3 =	vadd.s32 v1, v3  }
0xa5: {  	[tilespmem:s30], [sflag:$0x2] =	stream.indirect_vreg.gather [hbm4b:s6+s2], $0x80, v4, vm0, $0xb8;
	[tilespmem:$0x1E100] =	vst v63  }
0xa6: {  	s31 =	simm.s32 $0x16100  }
0xa7: {  	[tilespmem:s31], [sflag:$0x2] =	stream.indirect_vreg.gather [hbm4b:s7+s2], $0x80, v4, vm0, $0xb8;
	[tilespmem:$0x1E100] =	vst v63  }
0xa8: {  	_ = 	snop  }
0xa9: {  	[tilespmem:s18], [sflag:$0x2] =	stream.indirect_vreg.gather [hbm4b:s3+s2], $0x80, v3, vm0, $0xb8;
	[tilespmem:$0x1E100] =	vst v63  }
0xaa: {  	_ = 	snop  }
0xab: {  	[tilespmem:s19], [sflag:$0x2] =	stream.indirect_vreg.gather [hbm4b:s6+s2], $0x80, v3, vm0, $0xb8;
	[tilespmem:$0x1E100] =	vst v63  }
0xac: {  	_ = 	snop  }
0xad: {  	[tilespmem:s20], [sflag:$0x2] =	stream.indirect_vreg.gather [hbm4b:s7+s2], $0x80, v3, vm0, $0xb8;
	[tilespmem:$0x1E100] =	vst v63  }
0xae: {  	_ =	swait.ge [sflag:s21], $0xC000  }
0xaf: {  	[sflag:s21] =	ssyncset.done $0x0  }
0xb0: {  	s25 =	simm.s32 $0x0;
	[sflag:s21] =	ssyncadd.s32 $0xFFFF4000  }
.LBB2_2:
0xb1: {  	s0 =	sshll.u32 s25, $0x1  }
0xb2: {  	s13 =	sshrl.u32 s25, $0x2;
	s1 =	sshllo.u32 s25, $0x1;
	v3 =	vmov s0  }
0xb3: {  	s0 =	smul.u32 $0x6000, s13;
	v4 =	vmov s1;
	v3 =	vbroadcast v3, $0x0;
	_ =	sdelay $0x1  }
0xb4: {  	s13 =	simm.s32 $0x0;
	s0 =	sshra.s32 s0, $0x2  }
0xb5: {  	s14 =	sshll.u32 s25, $0x8;
	s16 =	sand.u32 $0x1C00, s13;
	s26 =	sor.u32 $0x100, s0  }
0xb6: {  	s28 =	sand.u32 $0x300, s14;
	s14 =	sshll.u32 s1, $0x7;
	s15 =	sadd.s32 s16, s26  }
0xb7: {  	s29 =	sand.u32 $0x380, s14;
	s30 =	sand.u32 $0x70, s13;
	s17 =	sadd.s32 s28, s15;
	v4 =	vld.idx.msk [tilespmem:v4+s12+$0x0], $0xffff  }
0xb8: {  	s1 =	sadd.s32 s29, s15;
	s0 =	sadd.s32 s30, s17;
	v3 =	vld.idx.msk [tilespmem:v3+s12+$0x0], $0xffff  }
0xb9: {  	s13 =	sadd.s32 s30, s1;
	v5 =	vld [tilespmem:s0+$0x0]  }
0xba: {  	v6 =	vld [tilespmem:s13+$0x0]  }
0xbb: {  	s14 =	sshrl.u32 s25, $0x3  }
0xbc: {  	s0 =	smul.u32 $0x6000, s14  }
0xbd: {  	s15 =	sshll.u32 s25, $0x7  }
0xbe: {  	s1 =	sand.u32 $0x380, s15;
	s0 =	sshra.s32 s0, $0x2  }
0xbf: {  	s17 =	simm.s32 $0x10;
	s1 =	sor.u32 s1, s0;
	s0 =	simm.s32 $0x80;
	v5 =	vmul.f32 v5, v3;
	v6 =	vmul.f32 v6, v4  }
0xc0: {  	s14 =	simm.s32 $0x20;
	s31 =	sadd.s32 $0x18100, s1;
	s13 =	sand.u32 $0x1C00, s0  }
0xc1: {  	s1 =	sand.u32 $0x70, s17;
	s15 =	sadd.s32 s13, s26;
	s16 =	sadd.s32 s16, s31;
	v5 =	vadd.f32 v6, v5  }
.LBB2_3:
0xc2: {  	p0 =	sne.s32 s14, $0x2F0;
	s17 =	sadd.s32 s28, s15;
	s16 =	sadd.s32 s30, s16  }
0xc3: {  	s15 =	sadd.s32 s29, s15;
	s30 =	smov.u32 s1;
	s17 =	sadd.s32 s1, s17;
	[tilespmem:s16+$0x0] =	vst v5  }
0xc4: {  	s1 =	sadd.s32 s30, s15;
	s16 =	smov.u32 s13;
	v5 =	vld [tilespmem:s17+$0x0]  }
0xc5: {  	v6 =	vld [tilespmem:s1+$0x0];
	_ =	sdelay $0x2  }
.Ltmp0:
0xc6: {  	(pc) =	sbr.rel @p0 .LBB2_3-.Ltmp0, $4  }
0xc7: {  	_ = 	snop  }
0xc8: {  	s0 =	sadd.s32 $0x80, s0;
	v5 =	vmul.f32 v5, v3;
	v6 =	vmul.f32 v6, v4  }
0xc9: {  	s13 =	sand.u32 $0x1C00, s0;
	s1 =	sand.u32 $0x70, s14  }
0xca: {  	s15 =	sadd.s32 s13, s26;
	s16 =	sadd.s32 s16, s31;
	s14 =	sadd.s32 $0x10, s14;
	v5 =	vadd.f32 v6, v5  }
0xcb: {  	s0 =	sadd.s32 s28, s15;
	s14 =	sadd.s32 s30, s16  }
0xcc: {  	s29 =	sadd.s32 s29, s15;
	s0 =	sadd.s32 s1, s0;
	[tilespmem:s14+$0x0] =	vst v5  }
0xcd: {  	s30 =	sadd.s32 s1, s29;
	v5 =	vld [tilespmem:s0+$0x0]  }
0xce: {  	v6 =	vld [tilespmem:s30+$0x0];
	_ =	sdelay $0x2  }
0xcf: {  	s25 =	sadd.s32 $0x1, s25  }
0xd0: {  	p0 =	sne.s32 s25, $0x20  }
.Ltmp1:
0xd1: {  	v3 =	vmul.f32 v5, v3;
	v4 =	vmul.f32 v6, v4;
	(pc) =	sbr.rel @p0 .LBB2_2-.Ltmp1, $4  }
0xd2: {  	_ = 	snop  }
0xd3: {  	s31 =	sadd.s32 s13, s31;
	v3 =	vadd.f32 v4, v3  }
0xd4: {  	s0 =	sadd.s32 s1, s31  }
0xd5: {  	[tilespmem:s0+$0x0] =	vst v3  }
0xd6: {  	s25 =	simm.s32 $0x0  }
0xd7: {  	[hbm4b:s8+s25] =	stream.linear.scatter [tilespmem:s22], [sflag:$0x3], $0x6000, $0x38;
	[tilespmem:$0x1E100] =	vst v63  }
0xd8: {  	_ =	swait.ge [sflag:s11], $0x6000  }
0xd9: {  	[sflag:s11] =	ssyncset.done $0x0  }
0xda: {  	[sflag:s11] =	ssyncadd.s32 $0xFFFFA000  }
0xdb: {  	_ =	swait.ge [sflag:s23], $0xC000  }
0xdc: {  	[sflag:s23] =	ssyncset.done $0x0  }
0xdd: {  	s26 =	simm.s32 $0x0;
	[sflag:s23] =	ssyncadd.s32 $0xFFFF4000  }
.LBB2_6:
0xde: {  	s0 =	sshll.u32 s26, $0x1  }
0xdf: {  	s1 =	sor.u32 $0x40, s0  }
0xe0: {  	s31 =	sshrl.u32 s26, $0x2;
	s0 =	sor.u32 $0x41, s0;
	v3 =	vmov s1  }
0xe1: {  	s1 =	smul.u32 $0x6000, s31;
	v4 =	vmov s0;
	v3 =	vbroadcast v3, $0x0  }
0xe2: {  	s13 =	sshll.u32 s26, $0x8  }
0xe3: {  	s0 =	sand.u32 $0x300, s13;
	s1 =	sshra.s32 s1, $0x2  }
0xe4: {  	s0 =	sor.u32 s0, s1  }
0xe5: {  	s13 =	sand.u32 $0x1C00, s25;
	s28 =	sadd.s32 $0xC100, s0  }
0xe6: {  	s15 =	sand.u32 $0x70, s25;
	s0 =	sadd.s32 s13, s28;
	v4 =	vld.idx.msk [tilespmem:v4+s12+$0x0], $0xffff  }
0xe7: {  	s0 =	sadd.s32 s15, s0;
	v3 =	vld.idx.msk [tilespmem:v3+s12+$0x0], $0xffff  }
0xe8: {  	v5 =	vld [tilespmem:s0+$0x0]  }
0xe9: {  	v6 =	vld [tilespmem:s0+$0x80]  }
0xea: {  	s14 =	sshrl.u32 s26, $0x3  }
0xeb: {  	s16 =	smul.u32 $0x6000, s14  }
0xec: {  	s17 =	sshll.u32 s26, $0x7  }
0xed: {  	s1 =	sand.u32 $0x380, s17;
	s0 =	sshra.s32 s16, $0x2  }
0xee: {  	s0 =	sor.u32 s1, s0;
	v5 =	vmul.f32 v5, v3;
	v6 =	vmul.f32 v6, v4  }
0xef: {  	s31 =	simm.s32 $0x10;
	s29 =	sadd.s32 $0x18100, s0;
	s0 =	simm.s32 $0x80  }
0xf0: {  	s1 =	sand.u32 $0x70, s31;
	s30 =	sand.u32 $0x1C00, s0;
	s16 =	sadd.s32 s13, s29;
	v5 =	vadd.f32 v6, v5  }
0xf1: {  	s13 =	simm.s32 $0x20;
	s14 =	sadd.s32 s30, s28;
	s15 =	sadd.s32 s15, s16  }
.LBB2_7:
0xf2: {  	p0 =	sne.s32 s13, $0x2F0;
	s14 =	sadd.s32 s1, s14;
	[tilespmem:s15+$0x0] =	vst v5;
	s15 =	smov.u32 s1  }
0xf3: {  	v5 =	vld [tilespmem:s14+$0x0]  }
0xf4: {  	v6 =	vld [tilespmem:s14+$0x80];
	_ =	sdelay $0x3  }
.Ltmp2:
0xf5: {  	(pc) =	sbr.rel @p0 .LBB2_7-.Ltmp2, $4  }
0xf6: {  	v5 =	vmul.f32 v5, v3;
	v6 =	vmul.f32 v6, v4  }
0xf7: {  	s0 =	sadd.s32 $0x80, s0  }
0xf8: {  	s1 =	sand.u32 $0x70, s13;
	s16 =	sadd.s32 s30, s29;
	s30 =	sand.u32 $0x1C00, s0;
	v5 =	vadd.f32 v6, v5  }
0xf9: {  	s13 =	sadd.s32 $0x10, s13;
	s15 =	sadd.s32 s15, s16;
	s14 =	sadd.s32 s30, s28  }
0xfa: {  	s0 =	sadd.s32 s1, s14;
	[tilespmem:s15+$0x0] =	vst v5  }
0xfb: {  	v5 =	vld [tilespmem:s0+$0x0]  }
0xfc: {  	v6 =	vld [tilespmem:s0+$0x80];
	_ =	sdelay $0x2  }
0xfd: {  	s26 =	sadd.s32 $0x1, s26  }
0xfe: {  	p0 =	sne.s32 s26, $0x20  }
.Ltmp3:
0xff: {  	v3 =	vmul.f32 v5, v3;
	v4 =	vmul.f32 v6, v4;
	(pc) =	sbr.rel @p0 .LBB2_6-.Ltmp3, $4  }
0x100: {  	_ = 	snop  }
0x101: {  	s31 =	sadd.s32 s30, s29;
	v3 =	vadd.f32 v4, v3  }
0x102: {  	s0 =	sadd.s32 s1, s31  }
0x103: {  	[tilespmem:s0+$0x0] =	vst v3  }
0x104: {  	s24 =	sadd.s32 $0x1, s24  }
0x105: {  	p0 =	sne.s32 s24, s10  }
.Ltmp4:
0x106: {  	_ = 	snop;
	(pc) =	sbr.rel @p0 .LBB2_1-.Ltmp4, $4  }
0x107: {  	[hbm4b:s9+s2] =	stream.linear.scatter [tilespmem:s22], [sflag:$0x3], $0x6000, $0x38;
	[tilespmem:$0x1E100] =	vst v63  }
0x108: {  	_ =	swait.ge [sflag:s11], $0x6000  }
0x109: {  	[sflag:s11] =	ssyncset.done $0x0  }
0x10a: {  	[sflag:s11] =	ssyncadd.s32 $0xFFFFA000  }
0x10b: {  	_ =	sfence.sel $0x180000  }
0x10c: {  	[bflag:$0x0] =	sbarrier.arrive $0xFFFF  }
0x10d: {  	_ =	strace $0x90000047  }
0x10e: {  	s0 =	stileid.u32;
	[bflag:$0x2] =	sbarrier.arrive $0xFFFF  }
0x10f: {  	p0 =	sne.s32 s0, $0x0;
	s0 =	rddreg [dreg:$0x2]  }
0x110: {  	s0 =	sadd.s32 @!p0 $0x100000, s0  }
0x111: {  	[sflag:s0] =	ssyncadd.tile.s32 @!p0 $0x1;
	_ =	shalt  }
.Lfunc_end2:
_tile_overlayer_lowered:
.L_overlay_start_2:
0x112: {  	(tag) =	ssettag $0x2  }
0x113: {  	s0 =	rddreg [dreg:$0x0];
	s2 =	stileid.u32  }
0x114: {  	s1 =	rddreg [dreg:$0x1];
	p0 =	sne.s32 s2, $0x0  }
0x115: {  	s3 =	rddreg [dreg:$0x2];
	[bflag:$0x3] =	sbarrier.arrive $0xFFFF;
	s2 =	simm.s32 @!p0 $0x1C03  }
0x116: {  	[timem:s3], [sflag:s2] =	dma.local @!p0 [hbm:s0], s1  }
0x117: {  	s0 =	simm.s32 @!p0 $0x3  }
0x118: {  	_ =	swait.ge @!p0 [sflag:s0], s1  }
0x119: {  	s1 =	ssub.s32 @!p0 $0x0, s1;
	[sflag:s0] =	ssyncset.done @!p0 $0x0  }
0x11a: {  	[sflag:s0] =	ssyncadd.s32 @!p0 s1  }
0x11b: {  	[bflag:$0x3] =	sbarrier.arrive $0xFFFF  }
0x11c: {  	_ =	shalt  }

</sc_bundles>
